<compile_context>
chip_gen: v7x
topology: tpu7x:2x2x1
jax: 0.10.2.dev20260603
libtpu: 0.0.44.dev20260713+nightly
codegen_flags: <defaults>
</compile_context>

<pallas_src>
import functools

import jax
import jax.numpy as jnp
from jax.experimental import pallas as pl
from jax.experimental.pallas import tpu as pltpu
from jax.experimental.pallas import tpu_sc as plsc

_R = 64
_K = 8
_SCALING = 16.0 / 64.0
_BLK = 512
_SC_BLK = 32


def _tc1_body(x_ref, at_ref, rwt_ref, h16_ref, lg_ref):
    x = x_ref[...].astype(jnp.bfloat16)
    h = jnp.dot(x, at_ref[...], preferred_element_type=jnp.float32)
    h16 = h.astype(jnp.bfloat16)
    lg_ref[...] = jnp.dot(h16, rwt_ref[...], preferred_element_type=jnp.float32)
    h16_ref[...] = h16


def _tc2_body(h16_ref, mask_ref, bt_ref, o_ref):
    hs = h16_ref[...] * mask_ref[...].astype(jnp.bfloat16)
    o_ref[...] = jnp.dot(hs, bt_ref[...], preferred_element_type=jnp.float32)


def _sc_mask(lg):
    n = lg.shape[0]
    mesh = plsc.VectorSubcoreMesh(core_axis_name="core",
                                  subcore_axis_name="subcore")

    @pl.kernel(out_type=jax.ShapeDtypeStruct((n, _R), jnp.float32), mesh=mesh,
               compiler_params=pltpu.CompilerParams(needs_layout_passes=False))
    def _k(lg_hbm, mask_hbm):
        def body(lg_vmem, mask_vmem):
            lanes = jax.lax.iota(jnp.int32, 16)
            first8 = lanes < 8

            def sort_desc(v):
                s, _ = plsc.sort_key_val(v, lanes, descending=True)
                return s

            def top16(a, b):
                return jnp.where(first8, a, jax.lax.rev(b, (0,)))

            @pl.loop(0, _SC_BLK)
            def _(t):
                v = [lg_vmem.at[t, pl.ds(c * 16, 16)][...] for c in range(4)]
                s = [sort_desc(v[c]) for c in range(4)]
                m01 = sort_desc(top16(s[0], s[1]))
                m23 = sort_desc(top16(s[2], s[3]))
                fin = sort_desc(top16(m01, m23))
                t8 = fin[7]
                count_gt = jnp.sum((fin > t8).astype(jnp.int32))
                need_eq = 8 - count_gt
                carry = jnp.int32(0)
                for c in range(4):
                    gt = v[c] > t8
                    eq = v[c] == t8
                    cum = jnp.cumsum(eq.astype(jnp.int32))
                    sel = eq & ((cum + carry) <= need_eq)
                    mask_c = jnp.where(gt | sel, 1.0, 0.0)
                    mask_vmem.at[t, pl.ds(c * 16, 16)][...] = mask_c
                    carry = carry + cum[15]

        pltpu.emit_pipeline(
            body,
            grid=(n // _SC_BLK,),
            in_specs=[pl.BlockSpec((_SC_BLK, _R), lambda i: (i, 0))],
            out_specs=[pl.BlockSpec((_SC_BLK, _R), lambda i: (i, 0))],
            core_axis_name=("core", "subcore"),
            dimension_semantics=(pltpu.PARALLEL,),
        )(lg_hbm, mask_hbm)

    return _k(lg)


@functools.partial(jax.jit, static_argnames=())
def kernel(x, A, B, Rw):
    bsz, seq, d = x.shape
    n = bsz * seq
    x2 = x.reshape(n, d)
    at = A.T.astype(jnp.bfloat16)
    bt = (B.T * _SCALING).astype(jnp.bfloat16)
    rwt = Rw.T.astype(jnp.bfloat16)
    nb = n // _BLK

    h16, lg = pl.pallas_call(
        _tc1_body,
        grid=(nb,),
        in_specs=[
            pl.BlockSpec((_BLK, d), lambda i: (i, 0)),
            pl.BlockSpec((d, _R), lambda i: (0, 0)),
            pl.BlockSpec((_R, _R), lambda i: (0, 0)),
        ],
        out_specs=[
            pl.BlockSpec((_BLK, _R), lambda i: (i, 0)),
            pl.BlockSpec((_BLK, _R), lambda i: (i, 0)),
        ],
        out_shape=[
            jax.ShapeDtypeStruct((n, _R), jnp.bfloat16),
            jax.ShapeDtypeStruct((n, _R), jnp.float32),
        ],
        compiler_params=pltpu.CompilerParams(
            dimension_semantics=("arbitrary",)),
    )(x2, at, rwt)

    mask = _sc_mask(lg)

    out = pl.pallas_call(
        _tc2_body,
        grid=(nb,),
        in_specs=[
            pl.BlockSpec((_BLK, _R), lambda i: (i, 0)),
            pl.BlockSpec((_BLK, _R), lambda i: (i, 0)),
            pl.BlockSpec((_R, d), lambda i: (0, 0)),
        ],
        out_specs=pl.BlockSpec((_BLK, d), lambda i: (i, 0)),
        out_shape=jax.ShapeDtypeStruct((n, d), jnp.float32),
        compiler_params=pltpu.CompilerParams(
            dimension_semantics=("arbitrary",)),
    )(h16, mask, bt)
    return out.reshape(bsz, seq, d)

# --- scband reference (transcript-rebuilt; emitter-appended) ---
"""Pipeline reference for scband-fly-lo-ralayer-36816459661405 (READ-ONLY COPY).

The authoritative reference and input builder live on the scoring server;
editing this copy changes nothing except your own understanding.
"""

import jax, jax.numpy as jnp
import numpy as np

R_RANK = 64
TOPK = 8
SCALING = 16.0 / 64.0


def setup_inputs(seed: int = 0) -> dict:
    key = jax.random.key(seed)
    k1, k2, k3, k4 = jax.random.split(key, 4)
    x = jax.random.normal(k1, (4, 2048, 4096), dtype=jnp.float32)
    # lora_A.weight: [r, in_features], kaiming-uniform-ish scale
    A = jax.random.normal(k2, (R_RANK, 4096), dtype=jnp.float32) * (1.0 / np.sqrt(4096))
    # lora_B.weight: [out_features, r] (nonzero so output is non-trivial for benchmarking)
    B = jax.random.normal(k3, (4096, R_RANK), dtype=jnp.float32) * 0.02
    # router.weight: [r, r], std=1.0, frozen
    Rw = jax.random.normal(k4, (R_RANK, R_RANK), dtype=jnp.float32)
    return {"x": x, "A": A, "B": B, "Rw": Rw}


def reference(x, A, B, Rw):
    # dropout is identity in eval mode
    h = x @ A.T                      # [B, S, r]
    router_logits = h @ Rw.T         # [B, S, r]
    _, topk_idx = jax.lax.top_k(router_logits, TOPK)   # [B, S, k]
    mask = jnp.sum(jax.nn.one_hot(topk_idx, R_RANK, dtype=h.dtype), axis=-2)  # [B, S, r]
    h_sparse = h * mask
    out = h_sparse @ B.T             # [B, S, out_features]
    return out * SCALING

if __name__ == "__main__":
    import jax
    _d = setup_inputs()
    print(jax.jit(kernel)(*tuple(_d.values())))

</pallas_src>

<mosaic_0001>
#map = affine_map<(d0, d1) -> (0, 0)>
module attributes {stable_mosaic.version = 14 : i64} {
  func.func @_k(%arg0: i32, %arg1: i32, %arg2: memref<8192x64xf32, #tpu.memory_space<hbm>>, %arg3: memref<8192x64xf32, #tpu.memory_space<hbm>>) attributes {dimension_semantics = [#tpu.dimension_semantics<core_parallel>, #tpu.dimension_semantics<subcore_parallel>], iteration_bounds = array<i64: 2, 16>, scalar_prefetch = 0 : i64, scratch_operands = 0 : i64, tpu.core_type = #tpu.core_type<sc_vector_subcore>, window_params = [{transform_indices = #map}, {transform_indices = #map}]} {
    %mul3A = arith.constant 1 : i32
    %mul3A_0 = arith.muli %arg1, %mul3A : i32
    %add3A = arith.constant 0 : i32
    %add3A_1 = arith.addi %add3A, %mul3A_0 : i32
    %mul3A_2 = arith.constant 16 : i32
    %mul3A_3 = arith.muli %arg0, %mul3A_2 : i32
    %add3A_4 = arith.addi %add3A_1, %mul3A_3 : i32
    %mul3A_5 = arith.constant 8 : i32
    %mul3A_6 = arith.muli %add3A_4, %mul3A_5 : i32
    "tpu.region"() ({
      %run_scoped3A = memref.alloca() : memref<2x32x64xf32, #tpu.memory_space<vmem>>
      %run_scoped3A_7 = tpu.sem_alloc : memref<2x!tpu.dma_semaphore, #tpu.memory_space<semaphore_mem>>
      %run_scoped3A_8 = memref.alloca() : memref<2x32x64xf32, #tpu.memory_space<vmem>>
      %run_scoped3A_9 = tpu.sem_alloc : memref<2x!tpu.dma_semaphore, #tpu.memory_space<semaphore_mem>>
      %add3A_10 = arith.constant 0 : i32
      %add3A_11 = arith.addi %add3A_10, %mul3A_6 : i32
      %select_n3A = arith.constant true
      %select_n3A_12 = arith.constant 0 : i32
      %select_n3A_13 = arith.constant -1 : i32
      %select_n3A_14 = arith.select %select_n3A, %select_n3A_13, %select_n3A_12 : i32
      %eq3A = arith.constant -1 : i32
      %eq3A_15 = arith.cmpi eq, %select_n3A_14, %eq3A : i32
      %select_n3A_16 = arith.constant 7 : i32
      %select_n3A_17 = arith.select %eq3A_15, %select_n3A_16, %select_n3A_14 : i32
      %add3A_18 = arith.addi %select_n3A_17, %mul3A_6 : i32
      %select_n3A_19 = arith.constant true
      %select_n3A_20 = arith.constant 0 : i32
      %select_n3A_21 = arith.constant 1 : i32
      %select_n3A_22 = arith.select %select_n3A_19, %select_n3A_21, %select_n3A_20 : i32
      %eq3A_23 = arith.constant 8 : i32
      %eq3A_24 = arith.cmpi eq, %select_n3A_22, %eq3A_23 : i32
      %select_n3A_25 = arith.constant 0 : i32
      %select_n3A_26 = arith.select %eq3A_24, %select_n3A_25, %select_n3A_22 : i32
      %add3A_27 = arith.addi %select_n3A_26, %mul3A_6 : i32
      %add3A_28 = arith.constant 1 : i32
      %add3A_29 = arith.addi %select_n3A_26, %add3A_28 : i32
      %select_n3A_30 = arith.constant true
      %select_n3A_31 = arith.select %select_n3A_30, %add3A_29, %select_n3A_26 : i32
      %eq3A_32 = arith.constant 8 : i32
      %eq3A_33 = arith.cmpi eq, %select_n3A_31, %eq3A_32 : i32
      %select_n3A_34 = arith.constant 0 : i32
      %select_n3A_35 = arith.select %eq3A_33, %select_n3A_34, %select_n3A_31 : i32
      %add3A_36 = arith.addi %select_n3A_35, %mul3A_6 : i32
      "tpu.trace_start"() <{level = 10 : i32, message = "ep_initialize_0"}> : () -> ()
      %rem3A = arith.constant 0 : i32
      %rem3A_37 = arith.constant 2 : i32
      %rem3A_38 = arith.remui %rem3A, %rem3A_37 : i32
      %mul3A_39 = arith.constant 32 : i32
      %mul3A_40 = arith.muli %mul3A_39, %add3A_11 : i32
      %dma_start3A = arith.constant 0 : i32
      %dma_start3A_41 = arith.constant 0 : i32
      %dma_start3A_42 = tpu.memref_slice %run_scoped3A[%rem3A_38, %dma_start3A, %dma_start3A_41] : memref<2x32x64xf32, #tpu.memory_space<vmem>> -> memref<1x32x64xf32, #tpu.memory_space<vmem>>
      %dma_start3A_43 = tpu.memref_squeeze %dma_start3A_42 : memref<1x32x64xf32, #tpu.memory_space<vmem>> -> memref<32x64xf32, #tpu.memory_space<vmem>>
      %dma_start3A_44 = arith.constant 0 : i32
      %dma_start3A_45 = tpu.memref_slice %arg2[%mul3A_40, %dma_start3A_44] : memref<8192x64xf32, #tpu.memory_space<hbm>> -> memref<32x64xf32, #tpu.memory_space<hbm>>
      %dma_start3A_46 = tpu.memref_slice %run_scoped3A_7[%rem3A_38] : memref<2x!tpu.dma_semaphore, #tpu.memory_space<semaphore_mem>> -> memref<1x!tpu.dma_semaphore, #tpu.memory_space<semaphore_mem>>
      %dma_start3A_47 = tpu.memref_squeeze %dma_start3A_46 : memref<1x!tpu.dma_semaphore, #tpu.memory_space<semaphore_mem>> -> memref<!tpu.dma_semaphore, #tpu.memory_space<semaphore_mem>>
      %dma_start3A_48 = arith.constant 0 : i32
      %dma_start3A_49 = arith.constant 0 : i32
      %dma_start3A_50 = tpu.memref_slice %run_scoped3A[%rem3A_38, %dma_start3A_48, %dma_start3A_49] : memref<2x32x64xf32, #tpu.memory_space<vmem>> -> memref<1x32x64xf32, #tpu.memory_space<vmem>>
      %dma_start3A_51 = tpu.memref_squeeze %dma_start3A_50 : memref<1x32x64xf32, #tpu.memory_space<vmem>> -> memref<32x64xf32, #tpu.memory_space<vmem>>
      %dma_start3A_52 = arith.constant 0 : i32
      %dma_start3A_53 = tpu.memref_slice %arg2[%mul3A_40, %dma_start3A_52] : memref<8192x64xf32, #tpu.memory_space<hbm>> -> memref<32x64xf32, #tpu.memory_space<hbm>>
      tpu.enqueue_dma source(%dma_start3A_53 : memref<32x64xf32, #tpu.memory_space<hbm>>) target(%dma_start3A_51 : memref<32x64xf32, #tpu.memory_space<vmem>>) target_semaphore(%dma_start3A_47 : memref<!tpu.dma_semaphore, #tpu.memory_space<semaphore_mem>>)
      %add3A_54 = arith.constant 0 : i32
      %add3A_55 = arith.constant 1 : i32
      %add3A_56 = arith.addi %add3A_54, %add3A_55 : i32
      %select_n3A_57 = arith.constant true
      %select_n3A_58 = arith.constant 0 : i32
      %select_n3A_59 = arith.select %select_n3A_57, %add3A_56, %select_n3A_58 : i32
      "tpu.trace_stop"() : () -> ()
      %scan3A = arith.constant 0 : i32
      %scan3A_60 = arith.constant 0 : i32
      %scan3A_61 = arith.constant 0 : i32
      %scan3A_62 = arith.constant 0 : i32
      %scan3A_63 = arith.constant 0 : i32
      %scan3A_64 = arith.constant 8 : i32
      %scan3A_65 = arith.addi %scan3A_63, %scan3A_64 : i32
      %scan3A_66 = arith.constant 1 : i32
      %scan3A_67:5 = scf.for %scan3A_121 = %scan3A_63 to %scan3A_65 step %scan3A_66 iter_args(%scan3A_122 = %select_n3A_59, %scan3A_123 = %scan3A, %scan3A_124 = %scan3A_60, %scan3A_125 = %scan3A_61, %scan3A_126 = %scan3A_62) -> (i32, i32, i32, i32, i32)  : i32 {
        %eq3A_127 = arith.constant 0 : i32
        %eq3A_128 = arith.cmpi eq, %scan3A_121, %eq3A_127 : i32
        %eq3A_129 = arith.constant 7 : i32
        %eq3A_130 = arith.cmpi eq, %scan3A_121, %eq3A_129 : i32
        %add3A_131 = arith.addi %scan3A_126, %mul3A_6 : i32
        %sub3A_132 = arith.constant 1 : i32
        %sub3A_133 = arith.subi %scan3A_126, %sub3A_132 : i32
        %select_n3A_134 = arith.constant true
        %select_n3A_135 = arith.select %select_n3A_134, %sub3A_133, %scan3A_126 : i32
        %eq3A_136 = arith.constant -1 : i32
        %eq3A_137 = arith.cmpi eq, %select_n3A_135, %eq3A_136 : i32
        %select_n3A_138 = arith.constant 7 : i32
        %select_n3A_139 = arith.select %eq3A_137, %select_n3A_138, %select_n3A_135 : i32
        %add3A_140 = arith.addi %select_n3A_139, %mul3A_6 : i32
        %add3A_141 = arith.constant 1 : i32
        %add3A_142 = arith.addi %scan3A_126, %add3A_141 : i32
        %select_n3A_143 = arith.constant true
        %select_n3A_144 = arith.select %select_n3A_143, %add3A_142, %scan3A_126 : i32
        %eq3A_145 = arith.constant 8 : i32
        %eq3A_146 = arith.cmpi eq, %select_n3A_144, %eq3A_145 : i32
        %select_n3A_147 = arith.constant 0 : i32
        %select_n3A_148 = arith.select %eq3A_146, %select_n3A_147, %select_n3A_144 : i32
        %add3A_149 = arith.addi %select_n3A_148, %mul3A_6 : i32
        %add3A_150 = arith.constant 1 : i32
        %add3A_151 = arith.addi %select_n3A_148, %add3A_150 : i32
        %select_n3A_152 = arith.constant true
        %select_n3A_153 = arith.select %select_n3A_152, %add3A_151, %select_n3A_148 : i32
        %eq3A_154 = arith.constant 8 : i32
        %eq3A_155 = arith.cmpi eq, %select_n3A_153, %eq3A_154 : i32
        %select_n3A_156 = arith.constant 0 : i32
        %select_n3A_157 = arith.select %eq3A_155, %select_n3A_156, %select_n3A_153 : i32
        %add3A_158 = arith.addi %select_n3A_157, %mul3A_6 : i32
        %ne3A = arith.cmpi ne, %add3A_131, %add3A_149 : i32
        %or3A = arith.constant false
        %or3A_159 = arith.ori %or3A, %ne3A : i1
        %or3A_160 = arith.constant false
        %or3A_161 = arith.ori %or3A_159, %or3A_160 : i1
        %ge3A = arith.constant 7 : i32
        %ge3A_162 = arith.cmpi sge, %scan3A_121, %ge3A : i32
        %not3A = arith.constant true
        %not3A_163 = arith.xori %ge3A_162, %not3A : i1
        %and3A = arith.andi %or3A_161, %not3A_163 : i1
        %convert_element_type3A = arith.extui %and3A : i1 to i32
        %cond3A = arith.constant 0 : i32
        %cond3A_164 = arith.cmpi ne, %convert_element_type3A, %cond3A : i32
        scf.if %cond3A_164 {
          "tpu.trace_start"() <{level = 10 : i32, message = "ep_copy_in"}> : () -> ()
          %rem3A_280 = arith.constant 2 : i32
          %rem3A_281 = arith.remui %scan3A_122, %rem3A_280 : i32
          %mul3A_282 = arith.constant 32 : i32
          %mul3A_283 = arith.muli %mul3A_282, %add3A_149 : i32
          %dma_start3A_284 = arith.constant 0 : i32
          %dma_start3A_285 = arith.constant 0 : i32
          %dma_start3A_286 = tpu.memref_slice %run_scoped3A[%rem3A_281, %dma_start3A_284, %dma_start3A_285] : memref<2x32x64xf32, #tpu.memory_space<vmem>> -> memref<1x32x64xf32, #tpu.memory_space<vmem>>
          %dma_start3A_287 = tpu.memref_squeeze %dma_start3A_286 : memref<1x32x64xf32, #tpu.memory_space<vmem>> -> memref<32x64xf32, #tpu.memory_space<vmem>>
          %dma_start3A_288 = arith.constant 0 : i32
          %dma_start3A_289 = tpu.memref_slice %arg2[%mul3A_283, %dma_start3A_288] : memref<8192x64xf32, #tpu.memory_space<hbm>> -> memref<32x64xf32, #tpu.memory_space<hbm>>
          %dma_start3A_290 = tpu.memref_slice %run_scoped3A_7[%rem3A_281] : memref<2x!tpu.dma_semaphore, #tpu.memory_space<semaphore_mem>> -> memref<1x!tpu.dma_semaphore, #tpu.memory_space<semaphore_mem>>
          %dma_start3A_291 = tpu.memref_squeeze %dma_start3A_290 : memref<1x!tpu.dma_semaphore, #tpu.memory_space<semaphore_mem>> -> memref<!tpu.dma_semaphore, #tpu.memory_space<semaphore_mem>>
          %dma_start3A_292 = arith.constant 0 : i32
          %dma_start3A_293 = arith.constant 0 : i32
          %dma_start3A_294 = tpu.memref_slice %run_scoped3A[%rem3A_281, %dma_start3A_292, %dma_start3A_293] : memref<2x32x64xf32, #tpu.memory_space<vmem>> -> memref<1x32x64xf32, #tpu.memory_space<vmem>>
          %dma_start3A_295 = tpu.memref_squeeze %dma_start3A_294 : memref<1x32x64xf32, #tpu.memory_space<vmem>> -> memref<32x64xf32, #tpu.memory_space<vmem>>
          %dma_start3A_296 = arith.constant 0 : i32
          %dma_start3A_297 = tpu.memref_slice %arg2[%mul3A_283, %dma_start3A_296] : memref<8192x64xf32, #tpu.memory_space<hbm>> -> memref<32x64xf32, #tpu.memory_space<hbm>>
          tpu.enqueue_dma source(%dma_start3A_297 : memref<32x64xf32, #tpu.memory_space<hbm>>) target(%dma_start3A_295 : memref<32x64xf32, #tpu.memory_space<vmem>>) target_semaphore(%dma_start3A_291 : memref<!tpu.dma_semaphore, #tpu.memory_space<semaphore_mem>>)
          "tpu.trace_stop"() : () -> ()
        } else {
        }
        %and3A_165 = arith.constant true
        %and3A_166 = arith.andi %and3A, %and3A_165 : i1
        %add3A_167 = arith.constant 1 : i32
        %add3A_168 = arith.addi %scan3A_122, %add3A_167 : i32
        %select_n3A_169 = arith.select %and3A_166, %add3A_168, %scan3A_122 : i32
        %ne3A_170 = arith.cmpi ne, %add3A_131, %add3A_149 : i32
        %or3A_171 = arith.constant false
        %or3A_172 = arith.ori %or3A_171, %ne3A_170 : i1
        %or3A_173 = arith.constant false
        %or3A_174 = arith.ori %or3A_172, %or3A_173 : i1
        %ge3A_175 = arith.constant 7 : i32
        %ge3A_176 = arith.cmpi sge, %scan3A_121, %ge3A_175 : i32
        %not3A_177 = arith.constant true
        %not3A_178 = arith.xori %ge3A_176, %not3A_177 : i1
        %and3A_179 = arith.andi %or3A_174, %not3A_178 : i1
        %ne3A_180 = arith.cmpi ne, %add3A_131, %add3A_140 : i32
        %or3A_181 = arith.constant false
        %or3A_182 = arith.ori %or3A_181, %ne3A_180 : i1
        %or3A_183 = arith.constant false
        %or3A_184 = arith.ori %or3A_182, %or3A_183 : i1
        %or3A_185 = arith.ori %or3A_184, %eq3A_128 : i1
        %convert_element_type3A_186 = arith.extui %or3A_185 : i1 to i32
        %cond3A_187 = arith.constant 0 : i32
        %cond3A_188 = arith.cmpi ne, %convert_element_type3A_186, %cond3A_187 : i32
        scf.if %cond3A_188 {
          "tpu.trace_start"() <{level = 10 : i32, message = "ep_wait_in"}> : () -> ()
          %mul3A_280 = arith.constant 32 : i32
          %mul3A_281 = arith.muli %mul3A_280, %add3A_131 : i32
          %rem3A_282 = arith.constant 2 : i32
          %rem3A_283 = arith.remui %scan3A_123, %rem3A_282 : i32
          %dma_wait3A_284 = arith.constant 0 : i32
          %dma_wait3A_285 = arith.constant 0 : i32
          %dma_wait3A_286 = tpu.memref_slice %run_scoped3A[%rem3A_283, %dma_wait3A_284, %dma_wait3A_285] : memref<2x32x64xf32, #tpu.memory_space<vmem>> -> memref<1x32x64xf32, #tpu.memory_space<vmem>>
          %dma_wait3A_287 = tpu.memref_squeeze %dma_wait3A_286 : memref<1x32x64xf32, #tpu.memory_space<vmem>> -> memref<32x64xf32, #tpu.memory_space<vmem>>
          %dma_wait3A_288 = arith.constant 0 : i32
          %dma_wait3A_289 = tpu.memref_slice %arg2[%mul3A_281, %dma_wait3A_288] : memref<8192x64xf32, #tpu.memory_space<hbm>> -> memref<32x64xf32, #tpu.memory_space<hbm>>
          %dma_wait3A_290 = tpu.memref_slice %run_scoped3A_7[%rem3A_283] : memref<2x!tpu.dma_semaphore, #tpu.memory_space<semaphore_mem>> -> memref<1x!tpu.dma_semaphore, #tpu.memory_space<semaphore_mem>>
          %dma_wait3A_291 = tpu.memref_squeeze %dma_wait3A_290 : memref<1x!tpu.dma_semaphore, #tpu.memory_space<semaphore_mem>> -> memref<!tpu.dma_semaphore, #tpu.memory_space<semaphore_mem>>
          %dma_wait3A_292 = arith.constant 0 : i32
          %dma_wait3A_293 = arith.constant 0 : i32
          %dma_wait3A_294 = tpu.memref_slice %run_scoped3A[%rem3A_283, %dma_wait3A_292, %dma_wait3A_293] : memref<2x32x64xf32, #tpu.memory_space<vmem>> -> memref<1x32x64xf32, #tpu.memory_space<vmem>>
          %dma_wait3A_295 = tpu.memref_squeeze %dma_wait3A_294 : memref<1x32x64xf32, #tpu.memory_space<vmem>> -> memref<32x64xf32, #tpu.memory_space<vmem>>
          %dma_wait3A_296 = arith.constant 0 : i32
          %dma_wait3A_297 = tpu.memref_slice %arg2[%mul3A_281, %dma_wait3A_296] : memref<8192x64xf32, #tpu.memory_space<hbm>> -> memref<32x64xf32, #tpu.memory_space<hbm>>
          tpu.wait_dma2 semaphore(%dma_wait3A_291 : memref<!tpu.dma_semaphore, #tpu.memory_space<semaphore_mem>>) src(%dma_wait3A_297 : memref<32x64xf32, #tpu.memory_space<hbm>>) dst(%dma_wait3A_295 : memref<32x64xf32, #tpu.memory_space<vmem>>)
          "tpu.trace_stop"() : () -> ()
        } else {
        }
        %ne3A_189 = arith.cmpi ne, %add3A_131, %add3A_140 : i32
        %or3A_190 = arith.constant false
        %or3A_191 = arith.ori %or3A_190, %ne3A_189 : i1
        %or3A_192 = arith.constant false
        %or3A_193 = arith.ori %or3A_191, %or3A_192 : i1
        %or3A_194 = arith.ori %or3A_193, %eq3A_128 : i1
        %convert_element_type3A_195 = arith.extui %or3A_194 : i1 to i32
        %cond3A_196 = arith.constant 0 : i32
        %cond3A_197 = arith.cmpi ne, %convert_element_type3A_195, %cond3A_196 : i32
        scf.if %cond3A_197 {
        } else {
        }
        %rem3A_198 = arith.constant 2 : i32
        %rem3A_199 = arith.remui %scan3A_123, %rem3A_198 : i32
        %rem3A_200 = arith.constant 2 : i32
        %rem3A_201 = arith.remui %scan3A_124, %rem3A_200 : i32
        "tpu.trace_start"() <{level = 10 : i32, message = "ep_run_kernel"}> : () -> ()
        %iota3A = tpu.iota {dimensions = array<i32: 0>} : vector<16xi32>
        %lt3A = arith.constant 8 : i32
        %lt3A_202 = vector.broadcast %lt3A : i32 to vector<16xi32>
        %lt3A_203 = arith.cmpi slt, %iota3A, %lt3A_202 : vector<16xi32>
        %scan3A_204 = arith.constant 0 : i32
        %scan3A_205 = arith.constant 32 : i32
        %scan3A_206 = arith.addi %scan3A_204, %scan3A_205 : i32
        %scan3A_207 = arith.constant 1 : i32
        scf.for %scan3A_280 = %scan3A_204 to %scan3A_206 step %scan3A_207  : i32 {
          %mul3A_281 = arith.constant 1 : i32
          %mul3A_282 = arith.muli %scan3A_280, %mul3A_281 : i32
          %add3A_283 = arith.constant 0 : i32
          %add3A_284 = arith.addi %add3A_283, %mul3A_282 : i32
          %get3A = arith.constant 0 : i32
          %get3A_285 = arith.constant 0 : i32
          %get3A_286 = tpu.memref_slice %run_scoped3A[%rem3A_199, %get3A, %get3A_285] : memref<2x32x64xf32, #tpu.memory_space<vmem>> -> memref<1x32x64xf32, #tpu.memory_space<vmem>>
          %get3A_287 = tpu.memref_squeeze %get3A_286 : memref<1x32x64xf32, #tpu.memory_space<vmem>> -> memref<32x64xf32, #tpu.memory_space<vmem>>
          %get3A_288 = arith.index_cast %add3A_284 : i32 to index
          %get3A_289 = arith.constant 0 : index
          %get3A_290 = tpu.vector_load %get3A_287[%get3A_288, %get3A_289] {strides = array<i32>} : memref<32x64xf32, #tpu.memory_space<vmem>>, vector<16xf32>,
          %get3A_291 = arith.constant 0 : i32
          %get3A_292 = arith.constant 0 : i32
          %get3A_293 = tpu.memref_slice %run_scoped3A[%rem3A_199, %get3A_291, %get3A_292] : memref<2x32x64xf32, #tpu.memory_space<vmem>> -> memref<1x32x64xf32, #tpu.memory_space<vmem>>
          %get3A_294 = tpu.memref_squeeze %get3A_293 : memref<1x32x64xf32, #tpu.memory_space<vmem>> -> memref<32x64xf32, #tpu.memory_space<vmem>>
          %get3A_295 = arith.index_cast %add3A_284 : i32 to index
          %get3A_296 = arith.constant 16 : index
          %get3A_297 = tpu.vector_load %get3A_294[%get3A_295, %get3A_296] {strides = array<i32>} : memref<32x64xf32, #tpu.memory_space<vmem>>, vector<16xf32>,
          %get3A_298 = arith.constant 0 : i32
          %get3A_299 = arith.constant 0 : i32
          %get3A_300 = tpu.memref_slice %run_scoped3A[%rem3A_199, %get3A_298, %get3A_299] : memref<2x32x64xf32, #tpu.memory_space<vmem>> -> memref<1x32x64xf32, #tpu.memory_space<vmem>>
          %get3A_301 = tpu.memref_squeeze %get3A_300 : memref<1x32x64xf32, #tpu.memory_space<vmem>> -> memref<32x64xf32, #tpu.memory_space<vmem>>
          %get3A_302 = arith.index_cast %add3A_284 : i32 to index
          %get3A_303 = arith.constant 32 : index
          %get3A_304 = tpu.vector_load %get3A_301[%get3A_302, %get3A_303] {strides = array<i32>} : memref<32x64xf32, #tpu.memory_space<vmem>>, vector<16xf32>,
          %get3A_305 = arith.constant 0 : i32
          %get3A_306 = arith.constant 0 : i32
          %get3A_307 = tpu.memref_slice %run_scoped3A[%rem3A_199, %get3A_305, %get3A_306] : memref<2x32x64xf32, #tpu.memory_space<vmem>> -> memref<1x32x64xf32, #tpu.memory_space<vmem>>
          %get3A_308 = tpu.memref_squeeze %get3A_307 : memref<1x32x64xf32, #tpu.memory_space<vmem>> -> memref<32x64xf32, #tpu.memory_space<vmem>>
          %get3A_309 = arith.index_cast %add3A_284 : i32 to index
          %get3A_310 = arith.constant 48 : index
          %get3A_311 = tpu.vector_load %get3A_308[%get3A_309, %get3A_310] {strides = array<i32>} : memref<32x64xf32, #tpu.memory_space<vmem>>, vector<16xf32>,
          %masked_sort3A = arith.constant dense<true> : vector<16xi1>
          %masked_sort3A_312, %masked_sort3A_313, %masked_sort3A_314 = tpu.sort %get3A_290, %iota3A masked %masked_sort3A {descending = true} : (vector<16xf32>, vector<16xi32>, vector<16xi1>) -> (vector<16xi1>, vector<16xf32>, vector<16xi32>)
          %masked_sort3A_315 = arith.constant dense<true> : vector<16xi1>
          %masked_sort3A_316, %masked_sort3A_317, %masked_sort3A_318 = tpu.sort %get3A_297, %iota3A masked %masked_sort3A_315 {descending = true} : (vector<16xf32>, vector<16xi32>, vector<16xi1>) -> (vector<16xi1>, vector<16xf32>, vector<16xi32>)
          %masked_sort3A_319 = arith.constant dense<true> : vector<16xi1>
          %masked_sort3A_320, %masked_sort3A_321, %masked_sort3A_322 = tpu.sort %get3A_304, %iota3A masked %masked_sort3A_319 {descending = true} : (vector<16xf32>, vector<16xi32>, vector<16xi1>) -> (vector<16xi1>, vector<16xf32>, vector<16xi32>)
          %masked_sort3A_323 = arith.constant dense<true> : vector<16xi1>
          %masked_sort3A_324, %masked_sort3A_325, %masked_sort3A_326 = tpu.sort %get3A_311, %iota3A masked %masked_sort3A_323 {descending = true} : (vector<16xf32>, vector<16xi32>, vector<16xi1>) -> (vector<16xi1>, vector<16xf32>, vector<16xi32>)
          %rev3A = arith.constant 15 : i32
          %rev3A_327 = vector.broadcast %rev3A : i32 to vector<16xi32>
          %rev3A_328 = tpu.iota {dimensions = array<i32: 0>} : vector<16xi32>
          %rev3A_329 = arith.subi %rev3A_327, %rev3A_328 : vector<16xi32>
          %rev3A_330 = tpu.dynamic_gather %masked_sort3A_317[%rev3A_329] in [0] : vector<16xf32>, vector<16xi32> -> vector<16xf32>
          %select_n3A_331 = arith.select %lt3A_203, %masked_sort3A_313, %rev3A_330 : vector<16xi1>, vector<16xf32>
          %masked_sort3A_332 = arith.constant dense<true> : vector<16xi1>
          %masked_sort3A_333, %masked_sort3A_334, %masked_sort3A_335 = tpu.sort %select_n3A_331, %iota3A masked %masked_sort3A_332 {descending = true} : (vector<16xf32>, vector<16xi32>, vector<16xi1>) -> (vector<16xi1>, vector<16xf32>, vector<16xi32>)
          %rev3A_336 = arith.constant 15 : i32
          %rev3A_337 = vector.broadcast %rev3A_336 : i32 to vector<16xi32>
          %rev3A_338 = tpu.iota {dimensions = array<i32: 0>} : vector<16xi32>
          %rev3A_339 = arith.subi %rev3A_337, %rev3A_338 : vector<16xi32>
          %rev3A_340 = tpu.dynamic_gather %masked_sort3A_325[%rev3A_339] in [0] : vector<16xf32>, vector<16xi32> -> vector<16xf32>
          %select_n3A_341 = arith.select %lt3A_203, %masked_sort3A_321, %rev3A_340 : vector<16xi1>, vector<16xf32>
          %masked_sort3A_342 = arith.constant dense<true> : vector<16xi1>
          %masked_sort3A_343, %masked_sort3A_344, %masked_sort3A_345 = tpu.sort %select_n3A_341, %iota3A masked %masked_sort3A_342 {descending = true} : (vector<16xf32>, vector<16xi32>, vector<16xi1>) -> (vector<16xi1>, vector<16xf32>, vector<16xi32>)
          %rev3A_346 = arith.constant 15 : i32
          %rev3A_347 = vector.broadcast %rev3A_346 : i32 to vector<16xi32>
          %rev3A_348 = tpu.iota {dimensions = array<i32: 0>} : vector<16xi32>
          %rev3A_349 = arith.subi %rev3A_347, %rev3A_348 : vector<16xi32>
          %rev3A_350 = tpu.dynamic_gather %masked_sort3A_344[%rev3A_349] in [0] : vector<16xf32>, vector<16xi32> -> vector<16xf32>
          %select_n3A_351 = arith.select %lt3A_203, %masked_sort3A_334, %rev3A_350 : vector<16xi1>, vector<16xf32>
          %masked_sort3A_352 = arith.constant dense<true> : vector<16xi1>
          %masked_sort3A_353, %masked_sort3A_354, %masked_sort3A_355 = tpu.sort %select_n3A_351, %iota3A masked %masked_sort3A_352 {descending = true} : (vector<16xf32>, vector<16xi32>, vector<16xi1>) -> (vector<16xi1>, vector<16xf32>, vector<16xi32>)
          %slice3A = vector.extract_strided_slice %masked_sort3A_354 {offsets = [7], sizes = [1], strides = [1]} : vector<16xf32> to vector<1xf32>
          %squeeze3A = vector.extract %slice3A[0] : f32 from vector<1xf32>
          %gt3A = vector.broadcast %squeeze3A : f32 to vector<16xf32>
          %gt3A_356 = arith.cmpf ogt, %masked_sort3A_354, %gt3A : vector<16xf32>
          %convert_element_type3A_357 = arith.extui %gt3A_356 : vector<16xi1> to vector<16xi32>
          %reduce_sum3A = arith.constant true
          %reduce_sum3A_358 = vector.broadcast %reduce_sum3A : i1 to vector<16xi1>
          %reduce_sum3A_359 = tpu.scan <sum>, %convert_element_type3A_357 masked %reduce_sum3A_358 : vector<16xi32>, vector<16xi1> -> vector<16xi32>
          %reduce_sum3A_360 = vector.extract %reduce_sum3A_359[15] : i32 from vector<16xi32>
          %sub3A_361 = arith.constant 8 : i32
          %sub3A_362 = arith.subi %sub3A_361, %reduce_sum3A_360 : i32
          %gt3A_363 = vector.broadcast %squeeze3A : f32 to vector<16xf32>
          %gt3A_364 = arith.cmpf ogt, %get3A_290, %gt3A_363 : vector<16xf32>
          %eq3A_365 = vector.broadcast %squeeze3A : f32 to vector<16xf32>
          %eq3A_366 = arith.cmpf oeq, %get3A_290, %eq3A_365 : vector<16xf32>
          %convert_element_type3A_367 = arith.extui %eq3A_366 : vector<16xi1> to vector<16xi32>
          %cumsum3A = arith.constant true
          %cumsum3A_368 = vector.broadcast %cumsum3A : i1 to vector<16xi1>
          %cumsum3A_369 = tpu.scan <sum>, %convert_element_type3A_367 masked %cumsum3A_368 : vector<16xi32>, vector<16xi1> -> vector<16xi32>
          %add3A_370 = arith.constant 0 : i32
          %add3A_371 = vector.broadcast %add3A_370 : i32 to vector<16xi32>
          %add3A_372 = arith.addi %cumsum3A_369, %add3A_371 : vector<16xi32>
          %le3A = vector.broadcast %sub3A_362 : i32 to vector<16xi32>
          %le3A_373 = arith.cmpi sle, %add3A_372, %le3A : vector<16xi32>
          %and3A_374 = arith.andi %eq3A_366, %le3A_373 : vector<16xi1>
          %or3A_375 = arith.ori %gt3A_364, %and3A_374 : vector<16xi1>
          %jit3A = arith.constant 1.000000e+00 : f32
          %jit3A_376 = arith.constant 0.000000e+00 : f32
          %broadcast_in_dim3A = vector.broadcast %jit3A : f32 to vector<16xf32>
          %broadcast_in_dim3A_377 = vector.broadcast %jit3A_376 : f32 to vector<16xf32>
          %select_n3A_378 = arith.select %or3A_375, %broadcast_in_dim3A, %broadcast_in_dim3A_377 : vector<16xi1>, vector<16xf32>
          %swap3A = arith.constant 0 : i32
          %swap3A_379 = arith.constant 0 : i32
          %swap3A_380 = tpu.memref_slice %run_scoped3A_8[%rem3A_201, %swap3A, %swap3A_379] : memref<2x32x64xf32, #tpu.memory_space<vmem>> -> memref<1x32x64xf32, #tpu.memory_space<vmem>>
          %swap3A_381 = tpu.memref_squeeze %swap3A_380 : memref<1x32x64xf32, #tpu.memory_space<vmem>> -> memref<32x64xf32, #tpu.memory_space<vmem>>
          %swap3A_382 = arith.index_cast %add3A_284 : i32 to index
          %swap3A_383 = arith.constant 0 : index
          %swap3A_384 = tpu.vector_load %swap3A_381[%swap3A_382, %swap3A_383] {strides = array<i32>} : memref<32x64xf32, #tpu.memory_space<vmem>>, vector<16xf32>,
          tpu.vector_store %swap3A_381[%swap3A_382, %swap3A_383], %select_n3A_378 {strides = array<i32>} : memref<32x64xf32, #tpu.memory_space<vmem>>, vector<16xf32>,
          %slice3A_385 = vector.extract_strided_slice %cumsum3A_369 {offsets = [15], sizes = [1], strides = [1]} : vector<16xi32> to vector<1xi32>
          %squeeze3A_386 = vector.extract %slice3A_385[0] : i32 from vector<1xi32>
          %add3A_387 = arith.constant 0 : i32
          %add3A_388 = arith.addi %add3A_387, %squeeze3A_386 : i32
          %gt3A_389 = vector.broadcast %squeeze3A : f32 to vector<16xf32>
          %gt3A_390 = arith.cmpf ogt, %get3A_297, %gt3A_389 : vector<16xf32>
          %eq3A_391 = vector.broadcast %squeeze3A : f32 to vector<16xf32>
          %eq3A_392 = arith.cmpf oeq, %get3A_297, %eq3A_391 : vector<16xf32>
          %convert_element_type3A_393 = arith.extui %eq3A_392 : vector<16xi1> to vector<16xi32>
          %cumsum3A_394 = arith.constant true
          %cumsum3A_395 = vector.broadcast %cumsum3A_394 : i1 to vector<16xi1>
          %cumsum3A_396 = tpu.scan <sum>, %convert_element_type3A_393 masked %cumsum3A_395 : vector<16xi32>, vector<16xi1> -> vector<16xi32>
          %add3A_397 = vector.broadcast %add3A_388 : i32 to vector<16xi32>
          %add3A_398 = arith.addi %cumsum3A_396, %add3A_397 : vector<16xi32>
          %le3A_399 = vector.broadcast %sub3A_362 : i32 to vector<16xi32>
          %le3A_400 = arith.cmpi sle, %add3A_398, %le3A_399 : vector<16xi32>
          %and3A_401 = arith.andi %eq3A_392, %le3A_400 : vector<16xi1>
          %or3A_402 = arith.ori %gt3A_390, %and3A_401 : vector<16xi1>
          %jit3A_403 = arith.constant 1.000000e+00 : f32
          %jit3A_404 = arith.constant 0.000000e+00 : f32
          %broadcast_in_dim3A_405 = vector.broadcast %jit3A_403 : f32 to vector<16xf32>
          %broadcast_in_dim3A_406 = vector.broadcast %jit3A_404 : f32 to vector<16xf32>
          %select_n3A_407 = arith.select %or3A_402, %broadcast_in_dim3A_405, %broadcast_in_dim3A_406 : vector<16xi1>, vector<16xf32>
          %swap3A_408 = arith.constant 0 : i32
          %swap3A_409 = arith.constant 0 : i32
          %swap3A_410 = tpu.memref_slice %run_scoped3A_8[%rem3A_201, %swap3A_408, %swap3A_409] : memref<2x32x64xf32, #tpu.memory_space<vmem>> -> memref<1x32x64xf32, #tpu.memory_space<vmem>>
          %swap3A_411 = tpu.memref_squeeze %swap3A_410 : memref<1x32x64xf32, #tpu.memory_space<vmem>> -> memref<32x64xf32, #tpu.memory_space<vmem>>
          %swap3A_412 = arith.index_cast %add3A_284 : i32 to index
          %swap3A_413 = arith.constant 16 : index
          %swap3A_414 = tpu.vector_load %swap3A_411[%swap3A_412, %swap3A_413] {strides = array<i32>} : memref<32x64xf32, #tpu.memory_space<vmem>>, vector<16xf32>,
          tpu.vector_store %swap3A_411[%swap3A_412, %swap3A_413], %select_n3A_407 {strides = array<i32>} : memref<32x64xf32, #tpu.memory_space<vmem>>, vector<16xf32>,
          %slice3A_415 = vector.extract_strided_slice %cumsum3A_396 {offsets = [15], sizes = [1], strides = [1]} : vector<16xi32> to vector<1xi32>
          %squeeze3A_416 = vector.extract %slice3A_415[0] : i32 from vector<1xi32>
          %add3A_417 = arith.addi %add3A_388, %squeeze3A_416 : i32
          %gt3A_418 = vector.broadcast %squeeze3A : f32 to vector<16xf32>
          %gt3A_419 = arith.cmpf ogt, %get3A_304, %gt3A_418 : vector<16xf32>
          %eq3A_420 = vector.broadcast %squeeze3A : f32 to vector<16xf32>
          %eq3A_421 = arith.cmpf oeq, %get3A_304, %eq3A_420 : vector<16xf32>
          %convert_element_type3A_422 = arith.extui %eq3A_421 : vector<16xi1> to vector<16xi32>
          %cumsum3A_423 = arith.constant true
          %cumsum3A_424 = vector.broadcast %cumsum3A_423 : i1 to vector<16xi1>
          %cumsum3A_425 = tpu.scan <sum>, %convert_element_type3A_422 masked %cumsum3A_424 : vector<16xi32>, vector<16xi1> -> vector<16xi32>
          %add3A_426 = vector.broadcast %add3A_417 : i32 to vector<16xi32>
          %add3A_427 = arith.addi %cumsum3A_425, %add3A_426 : vector<16xi32>
          %le3A_428 = vector.broadcast %sub3A_362 : i32 to vector<16xi32>
          %le3A_429 = arith.cmpi sle, %add3A_427, %le3A_428 : vector<16xi32>
          %and3A_430 = arith.andi %eq3A_421, %le3A_429 : vector<16xi1>
          %or3A_431 = arith.ori %gt3A_419, %and3A_430 : vector<16xi1>
          %jit3A_432 = arith.constant 1.000000e+00 : f32
          %jit3A_433 = arith.constant 0.000000e+00 : f32
          %broadcast_in_dim3A_434 = vector.broadcast %jit3A_432 : f32 to vector<16xf32>
          %broadcast_in_dim3A_435 = vector.broadcast %jit3A_433 : f32 to vector<16xf32>
          %select_n3A_436 = arith.select %or3A_431, %broadcast_in_dim3A_434, %broadcast_in_dim3A_435 : vector<16xi1>, vector<16xf32>
          %swap3A_437 = arith.constant 0 : i32
          %swap3A_438 = arith.constant 0 : i32
          %swap3A_439 = tpu.memref_slice %run_scoped3A_8[%rem3A_201, %swap3A_437, %swap3A_438] : memref<2x32x64xf32, #tpu.memory_space<vmem>> -> memref<1x32x64xf32, #tpu.memory_space<vmem>>
          %swap3A_440 = tpu.memref_squeeze %swap3A_439 : memref<1x32x64xf32, #tpu.memory_space<vmem>> -> memref<32x64xf32, #tpu.memory_space<vmem>>
          %swap3A_441 = arith.index_cast %add3A_284 : i32 to index
          %swap3A_442 = arith.constant 32 : index
          %swap3A_443 = tpu.vector_load %swap3A_440[%swap3A_441, %swap3A_442] {strides = array<i32>} : memref<32x64xf32, #tpu.memory_space<vmem>>, vector<16xf32>,
          tpu.vector_store %swap3A_440[%swap3A_441, %swap3A_442], %select_n3A_436 {strides = array<i32>} : memref<32x64xf32, #tpu.memory_space<vmem>>, vector<16xf32>,
          %slice3A_444 = vector.extract_strided_slice %cumsum3A_425 {offsets = [15], sizes = [1], strides = [1]} : vector<16xi32> to vector<1xi32>
          %squeeze3A_445 = vector.extract %slice3A_444[0] : i32 from vector<1xi32>
          %add3A_446 = arith.addi %add3A_417, %squeeze3A_445 : i32
          %gt3A_447 = vector.broadcast %squeeze3A : f32 to vector<16xf32>
          %gt3A_448 = arith.cmpf ogt, %get3A_311, %gt3A_447 : vector<16xf32>
          %eq3A_449 = vector.broadcast %squeeze3A : f32 to vector<16xf32>
          %eq3A_450 = arith.cmpf oeq, %get3A_311, %eq3A_449 : vector<16xf32>
          %convert_element_type3A_451 = arith.extui %eq3A_450 : vector<16xi1> to vector<16xi32>
          %cumsum3A_452 = arith.constant true
          %cumsum3A_453 = vector.broadcast %cumsum3A_452 : i1 to vector<16xi1>
          %cumsum3A_454 = tpu.scan <sum>, %convert_element_type3A_451 masked %cumsum3A_453 : vector<16xi32>, vector<16xi1> -> vector<16xi32>
          %add3A_455 = vector.broadcast %add3A_446 : i32 to vector<16xi32>
          %add3A_456 = arith.addi %cumsum3A_454, %add3A_455 : vector<16xi32>
          %le3A_457 = vector.broadcast %sub3A_362 : i32 to vector<16xi32>
          %le3A_458 = arith.cmpi sle, %add3A_456, %le3A_457 : vector<16xi32>
          %and3A_459 = arith.andi %eq3A_450, %le3A_458 : vector<16xi1>
          %or3A_460 = arith.ori %gt3A_448, %and3A_459 : vector<16xi1>
          %jit3A_461 = arith.constant 1.000000e+00 : f32
          %jit3A_462 = arith.constant 0.000000e+00 : f32
          %broadcast_in_dim3A_463 = vector.broadcast %jit3A_461 : f32 to vector<16xf32>
          %broadcast_in_dim3A_464 = vector.broadcast %jit3A_462 : f32 to vector<16xf32>
          %select_n3A_465 = arith.select %or3A_460, %broadcast_in_dim3A_463, %broadcast_in_dim3A_464 : vector<16xi1>, vector<16xf32>
          %swap3A_466 = arith.constant 0 : i32
          %swap3A_467 = arith.constant 0 : i32
          %swap3A_468 = tpu.memref_slice %run_scoped3A_8[%rem3A_201, %swap3A_466, %swap3A_467] : memref<2x32x64xf32, #tpu.memory_space<vmem>> -> memref<1x32x64xf32, #tpu.memory_space<vmem>>
          %swap3A_469 = tpu.memref_squeeze %swap3A_468 : memref<1x32x64xf32, #tpu.memory_space<vmem>> -> memref<32x64xf32, #tpu.memory_space<vmem>>
          %swap3A_470 = arith.index_cast %add3A_284 : i32 to index
          %swap3A_471 = arith.constant 48 : index
          %swap3A_472 = tpu.vector_load %swap3A_469[%swap3A_470, %swap3A_471] {strides = array<i32>} : memref<32x64xf32, #tpu.memory_space<vmem>>, vector<16xf32>,
          tpu.vector_store %swap3A_469[%swap3A_470, %swap3A_471], %select_n3A_465 {strides = array<i32>} : memref<32x64xf32, #tpu.memory_space<vmem>>, vector<16xf32>,
          %slice3A_473 = vector.extract_strided_slice %cumsum3A_454 {offsets = [15], sizes = [1], strides = [1]} : vector<16xi32> to vector<1xi32>
          %squeeze3A_474 = vector.extract %slice3A_473[0] : i32 from vector<1xi32>
          %add3A_475 = arith.addi %add3A_446, %squeeze3A_474 : i32
        }
        %scan3A_208 = arith.constant 32 : i32
        "tpu.trace_stop"() : () -> ()
        %ne3A_209 = arith.cmpi ne, %add3A_131, %add3A_149 : i32
        %or3A_210 = arith.constant false
        %or3A_211 = arith.ori %or3A_210, %ne3A_209 : i1
        %or3A_212 = arith.constant false
        %or3A_213 = arith.ori %or3A_211, %or3A_212 : i1
        %or3A_214 = arith.ori %or3A_213, %eq3A_130 : i1
        %convert_element_type3A_215 = arith.extui %or3A_214 : i1 to i32
        %cond3A_216 = arith.constant 0 : i32
        %cond3A_217 = arith.cmpi ne, %convert_element_type3A_215, %cond3A_216 : i32
        scf.if %cond3A_217 {
        } else {
        }
        %and3A_218 = arith.constant false
        %and3A_219 = arith.andi %or3A_214, %and3A_218 : i1
        %ne3A_220 = arith.cmpi ne, %add3A_131, %add3A_149 : i32
        %or3A_221 = arith.constant false
        %or3A_222 = arith.ori %or3A_221, %ne3A_220 : i1
        %or3A_223 = arith.constant false
        %or3A_224 = arith.ori %or3A_222, %or3A_223 : i1
        %or3A_225 = arith.ori %or3A_224, %eq3A_130 : i1
        %convert_element_type3A_226 = arith.extui %or3A_225 : i1 to i32
        %cond3A_227 = arith.constant 0 : i32
        %cond3A_228 = arith.cmpi ne, %convert_element_type3A_226, %cond3A_227 : i32
        scf.if %cond3A_228 {
          "tpu.trace_start"() <{level = 10 : i32, message = "ep_copy_out"}> : () -> ()
          %rem3A_280 = arith.constant 2 : i32
          %rem3A_281 = arith.remui %scan3A_124, %rem3A_280 : i32
          %mul3A_282 = arith.constant 32 : i32
          %mul3A_283 = arith.muli %mul3A_282, %add3A_131 : i32
          %dma_start3A_284 = arith.constant 0 : i32
          %dma_start3A_285 = arith.constant 0 : i32
          %dma_start3A_286 = tpu.memref_slice %run_scoped3A_8[%rem3A_281, %dma_start3A_284, %dma_start3A_285] : memref<2x32x64xf32, #tpu.memory_space<vmem>> -> memref<1x32x64xf32, #tpu.memory_space<vmem>>
          %dma_start3A_287 = tpu.memref_squeeze %dma_start3A_286 : memref<1x32x64xf32, #tpu.memory_space<vmem>> -> memref<32x64xf32, #tpu.memory_space<vmem>>
          %dma_start3A_288 = arith.constant 0 : i32
          %dma_start3A_289 = tpu.memref_slice %arg3[%mul3A_283, %dma_start3A_288] : memref<8192x64xf32, #tpu.memory_space<hbm>> -> memref<32x64xf32, #tpu.memory_space<hbm>>
          %dma_start3A_290 = tpu.memref_slice %run_scoped3A_9[%rem3A_281] : memref<2x!tpu.dma_semaphore, #tpu.memory_space<semaphore_mem>> -> memref<1x!tpu.dma_semaphore, #tpu.memory_space<semaphore_mem>>
          %dma_start3A_291 = tpu.memref_squeeze %dma_start3A_290 : memref<1x!tpu.dma_semaphore, #tpu.memory_space<semaphore_mem>> -> memref<!tpu.dma_semaphore, #tpu.memory_space<semaphore_mem>>
          %dma_start3A_292 = arith.constant 0 : i32
          %dma_start3A_293 = tpu.memref_slice %arg3[%mul3A_283, %dma_start3A_292] : memref<8192x64xf32, #tpu.memory_space<hbm>> -> memref<32x64xf32, #tpu.memory_space<hbm>>
          %dma_start3A_294 = arith.constant 0 : i32
          %dma_start3A_295 = arith.constant 0 : i32
          %dma_start3A_296 = tpu.memref_slice %run_scoped3A_8[%rem3A_281, %dma_start3A_294, %dma_start3A_295] : memref<2x32x64xf32, #tpu.memory_space<vmem>> -> memref<1x32x64xf32, #tpu.memory_space<vmem>>
          %dma_start3A_297 = tpu.memref_squeeze %dma_start3A_296 : memref<1x32x64xf32, #tpu.memory_space<vmem>> -> memref<32x64xf32, #tpu.memory_space<vmem>>
          tpu.enqueue_dma source(%dma_start3A_297 : memref<32x64xf32, #tpu.memory_space<vmem>>) target(%dma_start3A_293 : memref<32x64xf32, #tpu.memory_space<hbm>>) target_semaphore(%dma_start3A_291 : memref<!tpu.dma_semaphore, #tpu.memory_space<semaphore_mem>>)
          "tpu.trace_stop"() : () -> ()
        } else {
        }
        %and3A_229 = arith.constant true
        %and3A_230 = arith.andi %or3A_225, %and3A_229 : i1
        %add3A_231 = arith.constant 1 : i32
        %add3A_232 = arith.addi %scan3A_124, %add3A_231 : i32
        %select_n3A_233 = arith.select %and3A_230, %add3A_232, %scan3A_124 : i32
        %ne3A_234 = arith.cmpi ne, %add3A_131, %add3A_140 : i32
        %or3A_235 = arith.constant false
        %or3A_236 = arith.ori %or3A_235, %ne3A_234 : i1
        %or3A_237 = arith.constant false
        %or3A_238 = arith.ori %or3A_236, %or3A_237 : i1
        %not3A_239 = arith.constant true
        %not3A_240 = arith.xori %eq3A_128, %not3A_239 : i1
        %and3A_241 = arith.andi %or3A_238, %not3A_240 : i1
        %convert_element_type3A_242 = arith.extui %and3A_241 : i1 to i32
        %cond3A_243 = arith.constant 0 : i32
        %cond3A_244 = arith.cmpi ne, %convert_element_type3A_242, %cond3A_243 : i32
        scf.if %cond3A_244 {
        } else {
        }
        %and3A_245 = arith.constant false
        %and3A_246 = arith.andi %and3A_241, %and3A_245 : i1
        %ne3A_247 = arith.cmpi ne, %add3A_131, %add3A_140 : i32
        %or3A_248 = arith.constant false
        %or3A_249 = arith.ori %or3A_248, %ne3A_247 : i1
        %or3A_250 = arith.constant false
        %or3A_251 = arith.ori %or3A_249, %or3A_250 : i1
        %not3A_252 = arith.constant true
        %not3A_253 = arith.xori %eq3A_128, %not3A_252 : i1
        %and3A_254 = arith.andi %or3A_251, %not3A_253 : i1
        %convert_element_type3A_255 = arith.extui %and3A_254 : i1 to i32
        %cond3A_256 = arith.constant 0 : i32
        %cond3A_257 = arith.cmpi ne, %convert_element_type3A_255, %cond3A_256 : i32
        scf.if %cond3A_257 {
          "tpu.trace_start"() <{level = 10 : i32, message = "ep_wait_out"}> : () -> ()
          %rem3A_280 = arith.constant 2 : i32
          %rem3A_281 = arith.remui %scan3A_125, %rem3A_280 : i32
          %mul3A_282 = arith.constant 32 : i32
          %mul3A_283 = arith.muli %mul3A_282, %add3A_140 : i32
          %dma_wait3A_284 = arith.constant 0 : i32
          %dma_wait3A_285 = arith.constant 0 : i32
          %dma_wait3A_286 = tpu.memref_slice %run_scoped3A_8[%rem3A_281, %dma_wait3A_284, %dma_wait3A_285] : memref<2x32x64xf32, #tpu.memory_space<vmem>> -> memref<1x32x64xf32, #tpu.memory_space<vmem>>
          %dma_wait3A_287 = tpu.memref_squeeze %dma_wait3A_286 : memref<1x32x64xf32, #tpu.memory_space<vmem>> -> memref<32x64xf32, #tpu.memory_space<vmem>>
          %dma_wait3A_288 = arith.constant 0 : i32
          %dma_wait3A_289 = tpu.memref_slice %arg3[%mul3A_283, %dma_wait3A_288] : memref<8192x64xf32, #tpu.memory_space<hbm>> -> memref<32x64xf32, #tpu.memory_space<hbm>>
          %dma_wait3A_290 = tpu.memref_slice %run_scoped3A_9[%rem3A_281] : memref<2x!tpu.dma_semaphore, #tpu.memory_space<semaphore_mem>> -> memref<1x!tpu.dma_semaphore, #tpu.memory_space<semaphore_mem>>
          %dma_wait3A_291 = tpu.memref_squeeze %dma_wait3A_290 : memref<1x!tpu.dma_semaphore, #tpu.memory_space<semaphore_mem>> -> memref<!tpu.dma_semaphore, #tpu.memory_space<semaphore_mem>>
          %dma_wait3A_292 = arith.constant 0 : i32
          %dma_wait3A_293 = tpu.memref_slice %arg3[%mul3A_283, %dma_wait3A_292] : memref<8192x64xf32, #tpu.memory_space<hbm>> -> memref<32x64xf32, #tpu.memory_space<hbm>>
          %dma_wait3A_294 = arith.constant 0 : i32
          %dma_wait3A_295 = arith.constant 0 : i32
          %dma_wait3A_296 = tpu.memref_slice %run_scoped3A_8[%rem3A_281, %dma_wait3A_294, %dma_wait3A_295] : memref<2x32x64xf32, #tpu.memory_space<vmem>> -> memref<1x32x64xf32, #tpu.memory_space<vmem>>
          %dma_wait3A_297 = tpu.memref_squeeze %dma_wait3A_296 : memref<1x32x64xf32, #tpu.memory_space<vmem>> -> memref<32x64xf32, #tpu.memory_space<vmem>>
          tpu.wait_dma2 semaphore(%dma_wait3A_291 : memref<!tpu.dma_semaphore, #tpu.memory_space<semaphore_mem>>) src(%dma_wait3A_297 : memref<32x64xf32, #tpu.memory_space<vmem>>) dst(%dma_wait3A_293 : memref<32x64xf32, #tpu.memory_space<hbm>>)
          "tpu.trace_stop"() : () -> ()
        } else {
        }
        %and3A_258 = arith.constant true
        %and3A_259 = arith.andi %and3A_254, %and3A_258 : i1
        %add3A_260 = arith.constant 1 : i32
        %add3A_261 = arith.addi %scan3A_125, %add3A_260 : i32
        %select_n3A_262 = arith.select %and3A_259, %add3A_261, %scan3A_125 : i32
        %ne3A_263 = arith.cmpi ne, %add3A_131, %add3A_149 : i32
        %or3A_264 = arith.constant false
        %or3A_265 = arith.ori %or3A_264, %ne3A_263 : i1
        %or3A_266 = arith.constant false
        %or3A_267 = arith.ori %or3A_265, %or3A_266 : i1
        %or3A_268 = arith.ori %or3A_267, %eq3A_130 : i1
        %add3A_269 = arith.constant 1 : i32
        %add3A_270 = arith.addi %scan3A_123, %add3A_269 : i32
        %select_n3A_271 = arith.select %or3A_268, %add3A_270, %scan3A_123 : i32
        %add3A_272 = arith.constant 1 : i32
        %add3A_273 = arith.addi %scan3A_126, %add3A_272 : i32
        %select_n3A_274 = arith.constant true
        %select_n3A_275 = arith.select %select_n3A_274, %add3A_273, %scan3A_126 : i32
        %eq3A_276 = arith.constant 8 : i32
        %eq3A_277 = arith.cmpi eq, %select_n3A_275, %eq3A_276 : i32
        %select_n3A_278 = arith.constant 0 : i32
        %select_n3A_279 = arith.select %eq3A_277, %select_n3A_278, %select_n3A_275 : i32
        scf.yield %select_n3A_169, %select_n3A_271, %select_n3A_233, %select_n3A_262, %select_n3A_279 : i32, i32, i32, i32, i32
      }
      %scan3A_68 = arith.constant 8 : i32
      %sub3A = arith.constant 1 : i32
      %sub3A_69 = arith.subi %scan3A_67#4, %sub3A : i32
      %select_n3A_70 = arith.constant true
      %select_n3A_71 = arith.select %select_n3A_70, %sub3A_69, %scan3A_67#4 : i32
      %eq3A_72 = arith.constant -1 : i32
      %eq3A_73 = arith.cmpi eq, %select_n3A_71, %eq3A_72 : i32
      %select_n3A_74 = arith.constant 7 : i32
      %select_n3A_75 = arith.select %eq3A_73, %select_n3A_74, %select_n3A_71 : i32
      %add3A_76 = arith.addi %select_n3A_75, %mul3A_6 : i32
      %sub3A_77 = arith.constant 1 : i32
      %sub3A_78 = arith.subi %select_n3A_75, %sub3A_77 : i32
      %select_n3A_79 = arith.constant true
      %select_n3A_80 = arith.select %select_n3A_79, %sub3A_78, %select_n3A_75 : i32
      %eq3A_81 = arith.constant -1 : i32
      %eq3A_82 = arith.cmpi eq, %select_n3A_80, %eq3A_81 : i32
      %select_n3A_83 = arith.constant 7 : i32
      %select_n3A_84 = arith.select %eq3A_82, %select_n3A_83, %select_n3A_80 : i32
      %add3A_85 = arith.addi %select_n3A_84, %mul3A_6 : i32
      %add3A_86 = arith.constant 1 : i32
      %add3A_87 = arith.addi %select_n3A_75, %add3A_86 : i32
      %select_n3A_88 = arith.constant true
      %select_n3A_89 = arith.select %select_n3A_88, %add3A_87, %select_n3A_75 : i32
      %eq3A_90 = arith.constant 8 : i32
      %eq3A_91 = arith.cmpi eq, %select_n3A_89, %eq3A_90 : i32
      %select_n3A_92 = arith.constant 0 : i32
      %select_n3A_93 = arith.select %eq3A_91, %select_n3A_92, %select_n3A_89 : i32
      %add3A_94 = arith.addi %select_n3A_93, %mul3A_6 : i32
      %add3A_95 = arith.constant 1 : i32
      %add3A_96 = arith.addi %select_n3A_93, %add3A_95 : i32
      %select_n3A_97 = arith.constant true
      %select_n3A_98 = arith.select %select_n3A_97, %add3A_96, %select_n3A_93 : i32
      %eq3A_99 = arith.constant 8 : i32
      %eq3A_100 = arith.cmpi eq, %select_n3A_98, %eq3A_99 : i32
      %select_n3A_101 = arith.constant 0 : i32
      %select_n3A_102 = arith.select %eq3A_100, %select_n3A_101, %select_n3A_98 : i32
      %add3A_103 = arith.addi %select_n3A_102, %mul3A_6 : i32
      "tpu.trace_start"() <{level = 10 : i32, message = "ep_finalize"}> : () -> ()
      %rem3A_104 = arith.constant 2 : i32
      %rem3A_105 = arith.remui %scan3A_67#3, %rem3A_104 : i32
      %mul3A_106 = arith.constant 32 : i32
      %mul3A_107 = arith.muli %mul3A_106, %add3A_76 : i32
      %dma_wait3A = arith.constant 0 : i32
      %dma_wait3A_108 = arith.constant 0 : i32
      %dma_wait3A_109 = tpu.memref_slice %run_scoped3A_8[%rem3A_105, %dma_wait3A, %dma_wait3A_108] : memref<2x32x64xf32, #tpu.memory_space<vmem>> -> memref<1x32x64xf32, #tpu.memory_space<vmem>>
      %dma_wait3A_110 = tpu.memref_squeeze %dma_wait3A_109 : memref<1x32x64xf32, #tpu.memory_space<vmem>> -> memref<32x64xf32, #tpu.memory_space<vmem>>
      %dma_wait3A_111 = arith.constant 0 : i32
      %dma_wait3A_112 = tpu.memref_slice %arg3[%mul3A_107, %dma_wait3A_111] : memref<8192x64xf32, #tpu.memory_space<hbm>> -> memref<32x64xf32, #tpu.memory_space<hbm>>
      %dma_wait3A_113 = tpu.memref_slice %run_scoped3A_9[%rem3A_105] : memref<2x!tpu.dma_semaphore, #tpu.memory_space<semaphore_mem>> -> memref<1x!tpu.dma_semaphore, #tpu.memory_space<semaphore_mem>>
      %dma_wait3A_114 = tpu.memref_squeeze %dma_wait3A_113 : memref<1x!tpu.dma_semaphore, #tpu.memory_space<semaphore_mem>> -> memref<!tpu.dma_semaphore, #tpu.memory_space<semaphore_mem>>
      %dma_wait3A_115 = arith.constant 0 : i32
      %dma_wait3A_116 = tpu.memref_slice %arg3[%mul3A_107, %dma_wait3A_115] : memref<8192x64xf32, #tpu.memory_space<hbm>> -> memref<32x64xf32, #tpu.memory_space<hbm>>
      %dma_wait3A_117 = arith.constant 0 : i32
      %dma_wait3A_118 = arith.constant 0 : i32
      %dma_wait3A_119 = tpu.memref_slice %run_scoped3A_8[%rem3A_105, %dma_wait3A_117, %dma_wait3A_118] : memref<2x32x64xf32, #tpu.memory_space<vmem>> -> memref<1x32x64xf32, #tpu.memory_space<vmem>>
      %dma_wait3A_120 = tpu.memref_squeeze %dma_wait3A_119 : memref<1x32x64xf32, #tpu.memory_space<vmem>> -> memref<32x64xf32, #tpu.memory_space<vmem>>
      tpu.wait_dma2 semaphore(%dma_wait3A_114 : memref<!tpu.dma_semaphore, #tpu.memory_space<semaphore_mem>>) src(%dma_wait3A_120 : memref<32x64xf32, #tpu.memory_space<vmem>>) dst(%dma_wait3A_116 : memref<32x64xf32, #tpu.memory_space<hbm>>)
      "tpu.trace_stop"() : () -> ()
      tpu.yield
    }) : () -> ()
    return
  }
}

module attributes {stable_mosaic.version = 14 : i64} {
  func.func @_tc1_body(%arg0: i32, %arg1: memref<512x4096xf32, #tpu.memory_space<vmem>>, %arg2: memref<4096x64xbf16, #tpu.memory_space<vmem>>, %arg3: memref<64x64xbf16, #tpu.memory_space<vmem>>, %arg4: memref<512x64xbf16, #tpu.memory_space<vmem>>, %arg5: memref<512x64xf32, #tpu.memory_space<vmem>>) attributes {dimension_semantics = [#tpu.dimension_semantics<arbitrary>], iteration_bounds = array<i64: 16>, scalar_prefetch = 0 : i64, scratch_operands = 0 : i64, tpu.core_type = #tpu.core_type<tc>, window_params = [{transform_indices = @transform_0, window_bounds = array<i64: 512, 4096>}, {pipeline_mode = #tpu.pipeline_mode<synchronous>, transform_indices = @transform_1, window_bounds = array<i64: 4096, 64>}, {pipeline_mode = #tpu.pipeline_mode<synchronous>, transform_indices = @transform_2, window_bounds = array<i64: 64, 64>}, {transform_indices = @transform_3, window_bounds = array<i64: 512, 64>}, {transform_indices = @transform_4, window_bounds = array<i64: 512, 64>}]} {
    %get3A = arith.constant 0 : index
    %get3A_0 = arith.constant 0 : index
    %get3A_1 = vector.load %arg1[%get3A, %get3A_0] : memref<512x4096xf32, #tpu.memory_space<vmem>>, vector<512x4096xf32>
    %convert_element_type3A = arith.truncf %get3A_1 : vector<512x4096xf32> to vector<512x4096xbf16>
    %get3A_2 = arith.constant 0 : index
    %get3A_3 = arith.constant 0 : index
    %get3A_4 = vector.load %arg2[%get3A_2, %get3A_3] : memref<4096x64xbf16, #tpu.memory_space<vmem>>, vector<4096x64xbf16>
    %dot_general3A = arith.constant dense<0.000000e+00> : vector<512x64xf32>
    %dot_general3A_5 = tpu.matmul %convert_element_type3A, %get3A_4, %dot_general3A {dimension_numbers = #tpu.dot_dimension_numbers<[1], [0], [0], [1], [0, 0, 1, 1], [], []>, transpose_lhs_hint = false} : vector<512x4096xbf16>, vector<4096x64xbf16>, vector<512x64xf32> -> vector<512x64xf32>
    %convert_element_type3A_6 = arith.truncf %dot_general3A_5 : vector<512x64xf32> to vector<512x64xbf16>
    %get3A_7 = arith.constant 0 : index
    %get3A_8 = arith.constant 0 : index
    %get3A_9 = vector.load %arg3[%get3A_7, %get3A_8] : memref<64x64xbf16, #tpu.memory_space<vmem>>, vector<64x64xbf16>
    %dot_general3A_10 = arith.constant dense<0.000000e+00> : vector<512x64xf32>
    %dot_general3A_11 = tpu.matmul %convert_element_type3A_6, %get3A_9, %dot_general3A_10 {dimension_numbers = #tpu.dot_dimension_numbers<[1], [0], [0], [1], [0, 0, 1, 1], [], []>, transpose_lhs_hint = false} : vector<512x64xbf16>, vector<64x64xbf16>, vector<512x64xf32> -> vector<512x64xf32>
    %swap3A = arith.constant 0 : index
    %swap3A_12 = arith.constant 0 : index
    %swap3A_13 = vector.load %arg5[%swap3A, %swap3A_12] : memref<512x64xf32, #tpu.memory_space<vmem>>, vector<512x64xf32>
    tpu.vector_store %arg5[%swap3A, %swap3A_12], %dot_general3A_11 {strides = array<i32>} : memref<512x64xf32, #tpu.memory_space<vmem>>, vector<512x64xf32>,
    %swap3A_14 = arith.constant 0 : index
    %swap3A_15 = arith.constant 0 : index
    %swap3A_16 = vector.load %arg4[%swap3A_14, %swap3A_15] : memref<512x64xbf16, #tpu.memory_space<vmem>>, vector<512x64xbf16>
    tpu.vector_store %arg4[%swap3A_14, %swap3A_15], %convert_element_type3A_6 {strides = array<i32>} : memref<512x64xbf16, #tpu.memory_space<vmem>>, vector<512x64xbf16>,
    return
  }
  func.func @transform_0(%arg0: i32) -> (i32, i32) {
    %c0_i32 = arith.constant 0 : i32
    %c0_i32_0 = arith.constant 0 : i32
    return %arg0, %c0_i32 : i32, i32
  }
  func.func @transform_1(%arg0: i32) -> (i32, i32) {
    %c0_i32 = arith.constant 0 : i32
    %c0_i32_0 = arith.constant 0 : i32
    %c0_i32_1 = arith.constant 0 : i32
    return %c0_i32, %c0_i32_0 : i32, i32
  }
  func.func @transform_2(%arg0: i32) -> (i32, i32) {
    %c0_i32 = arith.constant 0 : i32
    %c0_i32_0 = arith.constant 0 : i32
    %c0_i32_1 = arith.constant 0 : i32
    return %c0_i32, %c0_i32_0 : i32, i32
  }
  func.func @transform_3(%arg0: i32) -> (i32, i32) {
    %c0_i32 = arith.constant 0 : i32
    %c0_i32_0 = arith.constant 0 : i32
    return %arg0, %c0_i32 : i32, i32
  }
  func.func @transform_4(%arg0: i32) -> (i32, i32) {
    %c0_i32 = arith.constant 0 : i32
    %c0_i32_0 = arith.constant 0 : i32
    return %arg0, %c0_i32 : i32, i32
  }
}

module attributes {stable_mosaic.version = 14 : i64} {
  func.func @_tc2_body(%arg0: i32, %arg1: memref<512x64xbf16, #tpu.memory_space<vmem>>, %arg2: memref<512x64xf32, #tpu.memory_space<vmem>>, %arg3: memref<64x4096xbf16, #tpu.memory_space<vmem>>, %arg4: memref<512x4096xf32, #tpu.memory_space<vmem>>) attributes {dimension_semantics = [#tpu.dimension_semantics<arbitrary>], iteration_bounds = array<i64: 16>, scalar_prefetch = 0 : i64, scratch_operands = 0 : i64, tpu.core_type = #tpu.core_type<tc>, window_params = [{transform_indices = @transform_0, window_bounds = array<i64: 512, 64>}, {transform_indices = @transform_1, window_bounds = array<i64: 512, 64>}, {pipeline_mode = #tpu.pipeline_mode<synchronous>, transform_indices = @transform_2, window_bounds = array<i64: 64, 4096>}, {transform_indices = @transform_3, window_bounds = array<i64: 512, 4096>}]} {
    %get3A = arith.constant 0 : index
    %get3A_0 = arith.constant 0 : index
    %get3A_1 = vector.load %arg1[%get3A, %get3A_0] : memref<512x64xbf16, #tpu.memory_space<vmem>>, vector<512x64xbf16>
    %get3A_2 = arith.constant 0 : index
    %get3A_3 = arith.constant 0 : index
    %get3A_4 = vector.load %arg2[%get3A_2, %get3A_3] : memref<512x64xf32, #tpu.memory_space<vmem>>, vector<512x64xf32>
    %convert_element_type3A = arith.truncf %get3A_4 : vector<512x64xf32> to vector<512x64xbf16>
    %mul3A = arith.mulf %get3A_1, %convert_element_type3A : vector<512x64xbf16>
    %get3A_5 = arith.constant 0 : index
    %get3A_6 = arith.constant 0 : index
    %get3A_7 = vector.load %arg3[%get3A_5, %get3A_6] : memref<64x4096xbf16, #tpu.memory_space<vmem>>, vector<64x4096xbf16>
    %dot_general3A = arith.constant dense<0.000000e+00> : vector<512x4096xf32>
    %dot_general3A_8 = tpu.matmul %mul3A, %get3A_7, %dot_general3A {dimension_numbers = #tpu.dot_dimension_numbers<[1], [0], [0], [1], [0, 0, 1, 1], [], []>, transpose_lhs_hint = false} : vector<512x64xbf16>, vector<64x4096xbf16>, vector<512x4096xf32> -> vector<512x4096xf32>
    %swap3A = arith.constant 0 : index
    %swap3A_9 = arith.constant 0 : index
    %swap3A_10 = vector.load %arg4[%swap3A, %swap3A_9] : memref<512x4096xf32, #tpu.memory_space<vmem>>, vector<512x4096xf32>
    tpu.vector_store %arg4[%swap3A, %swap3A_9], %dot_general3A_8 {strides = array<i32>} : memref<512x4096xf32, #tpu.memory_space<vmem>>, vector<512x4096xf32>,
    return
  }
  func.func @transform_0(%arg0: i32) -> (i32, i32) {
    %c0_i32 = arith.constant 0 : i32
    %c0_i32_0 = arith.constant 0 : i32
    return %arg0, %c0_i32 : i32, i32
  }
  func.func @transform_1(%arg0: i32) -> (i32, i32) {
    %c0_i32 = arith.constant 0 : i32
    %c0_i32_0 = arith.constant 0 : i32
    return %arg0, %c0_i32 : i32, i32
  }
  func.func @transform_2(%arg0: i32) -> (i32, i32) {
    %c0_i32 = arith.constant 0 : i32
    %c0_i32_0 = arith.constant 0 : i32
    %c0_i32_1 = arith.constant 0 : i32
    return %c0_i32, %c0_i32_0 : i32, i32
  }
  func.func @transform_3(%arg0: i32) -> (i32, i32) {
    %c0_i32 = arith.constant 0 : i32
    %c0_i32_0 = arith.constant 0 : i32
    return %arg0, %c0_i32 : i32, i32
  }
}

</mosaic_0001>

<sc_bundles>
// kernel: kernel.5.cloned.1.call-start
scs
__scs_entry_jumppad:
0x0: {  	(pc) =	sbr.rel $0x88, $3  }
0x1: {  	(tag) =	ssettag $0x0;
	lr =	simm.s32 $0x1  }
0x2: {  	[smem:$0x3F9D] =	sst lr;
	_ =	strace $0xD0000000  }
0x3: {  	_ = 	snop  }
0x4: {  	_ = 	snop  }
0x5: {  	_ = 	snop  }
0x6: {  	_ = 	snop  }
0x7: {  	_ = 	snop  }
__scs_overlays_trampoline_lowered:
0x8: {  	[smem:$0x3FAC] =	sst s0  }
0x9: {  	[smem:$0x3FAD] =	sst s1  }
0xa: {  	[smem:$0x3FAE] =	sst s2  }
0xb: {  	[smem:$0x3FAF] =	sst s3  }
0xc: {  	[smem:$0x3FB0] =	sst s4  }
0xd: {  	[smem:$0x3FB1] =	sst s5  }
0xe: {  	[smem:$0x3FB2] =	sst s6  }
0xf: {  	[smem:$0x3FB3] =	sst s7  }
0x10: {  	[smem:$0x3FB4] =	sst s8  }
0x11: {  	[smem:$0x3FB5] =	sst s9;
	s0 =	simm.s32 @!p0 $0x0  }
0x12: {  	s1 =	sld [smem:$0x3F9B];
	s0 =	simm.s32 @p0 $0x1  }
0x13: {  	[smem:$0x3FB6] =	sst s0;
	s0 =	simm.s32 @!p1 $0x0  }
0x14: {  	s2 =	sld [smem:$0x3F9A];
	s0 =	simm.s32 @p1 $0x1  }
0x15: {  	[smem:$0x3FB7] =	sst s0;
	s0 =	simm.s32 @!p2 $0x0  }
0x16: {  	s3 =	sld [smem:$0x3FDB];
	s0 =	simm.s32 @p2 $0x1  }
0x17: {  	s4 =	simm.s32 $0x1BF5;
	[smem:$0x3FB9] =	sst s0  }
0x18: {  	s0 =	sld [smem:$0x3F9C];
	_ =	swait.ge [sflag:s4], $0x0  }
0x19: {  	s7 =	sld [smem:$0x3F9D]  }
0x1a: {  	s8 =	sadd.s32 $0xFFFFE003, lr  }
0x1b: {  	s9 =	sadd.s32 $0xFFFFFEF7, lr;
	s5 =	simm.s32 $0xFFFFFFFF;
	p2 =	slt.u32 s8, $0xFFFFF086  }
0x1c: {  	p1 =	slt.u32 s9, $0xF7A;
	s5 =	simm.s32 @!p2 $0x0  }
0x1d: {  	s5 =	simm.s32 @p1 $0x1;
	p0 =	seq.s32 s7, s2  }
0x1e: {  	s7 =	smul.u32 @!p0 $0xF7A, s2;
	p2 =	seq.s32 @!p0 s5, $0x0  }
0x1f: {  	s9 =	smul.u32 $0xF7A, s1;
	s8 =	simm.s32 @!p0 $0x1BF5;
	p2 =	por !p2, p0  }
0x20: {  	[sflag:s8] =	ssyncset.s32 @!p0 $0xFFFFF086;
	s6 =	sadd.s32 @!p0 s3, s7;
	s7 =	simm.s32 @!p0 $0x108  }
0x21: {  	s3 =	sadd.s32 s3, s9;
	s6 =	sadd.s32 @!p0 $0x88, s6;
	s7 =	simm.s32 @p2 $0x1082  }
0x22: {  	[simem:s7], [sflag:s8] =	dma.local @!p0 [hbm:s6], $0xF7A  }
0x23: {  	s9 =	sor.u32 $0xD0000000, s2;
	s6 =	simm.s32 $0x108;
	_ =	swait.ge @!p0 [sflag:s8], $0x0  }
0x24: {  	s3 =	sadd.s32 $0x88, s3;
	s6 =	simm.s32 @!p1 $0x1082;
	[sflag:s4] =	ssyncset.s32 $0xFFFFF086  }
0x25: {  	[simem:s6], [sflag:s4] =	dma.local [hbm:s3], $0xF7A  }
0x26: {  	[smem:$0x3F9D] =	sst s1;
	(tag) =	ssettag s2;
	_ =	strace s9  }
0x27: {  	s1 =	sld [smem:$0x3FAD]  }
0x28: {  	s2 =	sld [smem:$0x3FAE]  }
0x29: {  	s4 =	sld [smem:$0x3FB0]  }
0x2a: {  	p0 =	seq.s32 s5, $0x0;
	s5 =	sld [smem:$0x3FB1]  }
0x2b: {  	s6 =	sld [smem:$0x3FB2]  }
0x2c: {  	s7 =	sld [smem:$0x3FB3]  }
0x2d: {  	s3 =	simm.s32 $0x108;
	s8 =	sld [smem:$0x3FB4]  }
0x2e: {  	s3 =	simm.s32 @!p0 $0x1082;
	s9 =	sld [smem:$0x3FB5]  }
0x2f: {  	lr =	sadd.s32 s0, s3;
	s0 =	sld [smem:$0x3FAC]  }
0x30: {  	s3 =	sld [smem:$0x3FAF]  }
0x31: {  	[smem:$0x3FB8] =	sst s10  }
0x32: {  	s10 =	sld [smem:$0x3FB6];
	_ =	sdelay $0x3  }
0x33: {  	p0 =	seq.s32 s10, $0x1;
	s10 =	sld [smem:$0x3FB8];
	_ =	sdelay $0x3  }
0x34: {  	[smem:$0x3FB8] =	sst s10  }
0x35: {  	s10 =	sld [smem:$0x3FB7];
	_ =	sdelay $0x3  }
0x36: {  	p1 =	seq.s32 s10, $0x1;
	s10 =	sld [smem:$0x3FB8];
	_ =	sdelay $0x3  }
0x37: {  	[smem:$0x3FB8] =	sst s10  }
0x38: {  	s10 =	sld [smem:$0x3FB9]  }
0x39: {  	_ = 	snop;
	(pc) =	sbr.ind lr, $3  }
0x3a: {  	_ = 	snop  }
0x3b: {  	_ = 	snop  }
0x3c: {  	p2 =	seq.s32 s10, $0x1;
	s10 =	sld [smem:$0x3FB8]  }
0x3d: {  	_ =	shalt  }
0x3e: {  	_ =	shalt  }
0x3f: {  	_ =	shalt  }
0x40: {  	_ =	shalt  }
0x41: {  	_ =	shalt  }
0x42: {  	_ =	shalt  }
0x43: {  	_ =	shalt  }
0x44: {  	_ =	shalt  }
0x45: {  	_ =	shalt  }
0x46: {  	_ =	shalt  }
0x47: {  	_ =	shalt  }
0x48: {  	_ =	shalt  }
0x49: {  	_ =	shalt  }
0x4a: {  	_ =	shalt  }
0x4b: {  	_ =	shalt  }
0x4c: {  	_ =	shalt  }
0x4d: {  	_ =	shalt  }
0x4e: {  	_ =	shalt  }
0x4f: {  	_ =	shalt  }
0x50: {  	_ =	shalt  }
0x51: {  	_ =	shalt  }
0x52: {  	_ =	shalt  }
0x53: {  	_ =	shalt  }
0x54: {  	_ =	shalt  }
0x55: {  	_ =	shalt  }
0x56: {  	_ =	shalt  }
0x57: {  	_ =	shalt  }
0x58: {  	_ =	shalt  }
0x59: {  	_ =	shalt  }
0x5a: {  	_ =	shalt  }
0x5b: {  	_ =	shalt  }
0x5c: {  	_ =	shalt  }
0x5d: {  	_ =	shalt  }
0x5e: {  	_ =	shalt  }
0x5f: {  	_ =	shalt  }
0x60: {  	_ =	shalt  }
0x61: {  	_ =	shalt  }
0x62: {  	_ =	shalt  }
0x63: {  	_ =	shalt  }
0x64: {  	_ =	shalt  }
0x65: {  	_ =	shalt  }
0x66: {  	_ =	shalt  }
0x67: {  	_ =	shalt  }
0x68: {  	_ =	shalt  }
0x69: {  	_ =	shalt  }
0x6a: {  	_ =	shalt  }
0x6b: {  	_ =	shalt  }
0x6c: {  	_ =	shalt  }
0x6d: {  	_ =	shalt  }
0x6e: {  	_ =	shalt  }
0x6f: {  	_ =	shalt  }
0x70: {  	_ =	shalt  }
0x71: {  	_ =	shalt  }
0x72: {  	_ =	shalt  }
0x73: {  	_ =	shalt  }
0x74: {  	_ =	shalt  }
0x75: {  	_ =	shalt  }
0x76: {  	_ =	shalt  }
0x77: {  	_ =	shalt  }
0x78: {  	_ =	shalt  }
0x79: {  	_ =	shalt  }
0x7a: {  	_ =	shalt  }
0x7b: {  	_ =	shalt  }
0x7c: {  	_ =	shalt  }
0x7d: {  	_ =	shalt  }
0x7e: {  	_ =	shalt  }
0x7f: {  	_ =	shalt  }
0x80: {  	_ =	shalt  }
0x81: {  	_ =	shalt  }
0x82: {  	_ =	shalt  }
0x83: {  	_ =	shalt  }
0x84: {  	_ =	shalt  }
0x85: {  	_ =	shalt  }
0x86: {  	_ =	shalt  }
0x87: {  	_ =	shalt  }
.Lfunc_end0:
.L_simem_size_0:
called_computation_lowered:
.L_overlay_start_0:
0x88: {  	s2 =	sld [smem:$0x3FD9]  }
0x89: {  	s3 =	sld [smem:$0x3FFE];
	_ =	sdelay $0x1  }
0x8a: {  	s1 =	srdreg.scid  }
0x8b: {  	s0 =	sand.u32 $0x1, s1  }
0x8c: {  	s17 =	sshll.u32 s0, $0xA;
	s2 =	sadd.s32 s3, s2  }
0x8d: {  	s2 =	sadd.s32 s2, s17  }
0x8e: {  	[smem:$0x3FC4] =	sst s2  }
0x8f: {  	_ = 	snop  }
0x90: {  	s2 =	sld [smem:$0x3FD0];
	(tm) =	ssettm $0x1  }
0x91: {  	s18 =	sld [smem:$0x3FFB];
	_ =	sdelay $0x3  }
0x92: {  	_ =	strace s18  }
0x93: {  	s3 =	sld [smem:$0x3FFC];
	_ =	sdelay $0x3  }
0x94: {  	_ =	strace s3  }
0x95: {  	s3 =	sld [smem:$0x3FFD];
	_ =	sdelay $0x3  }
0x96: {  	_ =	strace s3  }
0x97: {  	_ =	strace $0x8FFFFFFF  }
0x98: {  	s19 =	sld [smem:$0x3FDB];
	_ =	sdelay $0x1  }
0x99: {  	s4 =	simm.s32 $_scs_section_size  }
0x9a: {  	s5 =	simm.s32 $_size__tile_overlayer_lowered;
	s6 =	simm.s32 $_tile_overlayer_lowered  }
0x9b: {  	s22 =	simm.s32 $0x1BFF;
	s21 =	sshll.u32 s6, $0x1;
	s3 =	sadd.s32 s4, s19  }
0x9c: {  	s7 =	simm.s32 $0x0;
	s20 =	sshll.u32 s5, $0x1;
	s5 =	sadd.s32 s21, s3  }
0x9d: {  	[timem:s7], [sflag:s22] =	dma.local [hbm:s5], s20  }
0x9e: {  	_ =	swait.ge [sflag:s22], s20  }
0x9f: {  	s4 =	ssub.s32 $0x0, s20;
	[sflag:s22] =	ssyncset.done $0x0  }
0xa0: {  	[sflag:s22] =	ssyncadd.s32 s4;
	_ =	sdelay $0x1  }
0xa1: {  	s23 =	simm.s32 $0x1B8B  }
0xa2: {  	_ =	swait.ge [sflag:s23], $0x1  }
0xa3: {  	[sflag:s23] =	ssyncset.done $0x0  }
0xa4: {  	s25 =	simm.s32 $0x1B8E;
	s24 =	sld [smem:$0x3FFE];
	[sflag:s23] =	ssyncadd.s32 $0xFFFFFFFF  }
0xa5: {  	s26 =	simm.s32 $execute0_lowered;
	[smem:$0x3FD2] =	sst s25  }
0xa6: {  	s5 =	sshll.u32 s26, $0x1;
	_ =	strace $0x80000046;
	[dreg:$0x1] =	wrdreg $0xFFFFFFFF  }
0xa7: {  	s28 =	simm.s32 $_size_execute0_lowered;
	s3 =	sadd.s32 s3, s5;
	[dreg:$0x0] =	wrdreg $0x0  }
0xa8: {  	s5 =	sshll.u32 s28, $0x1;
	[dreg:$0x2] =	wrdreg s3  }
0xa9: {  	[dreg:$0x3] =	wrdreg s5  }
0xaa: {  	[dreg:$0x4] =	wrdreg $0xC0  }
0xab: {  	_ =	task [dreg:s7], $0x5FFFF  }
0xac: {  	[dreg:$0x1] =	wrdreg $0xFFFFFFFF  }
0xad: {  	[dreg:$0x0] =	wrdreg $0x60  }
0xae: {  	[dreg:$0x2] =	wrdreg s2  }
0xaf: {  	[dreg:$0x3] =	wrdreg s24  }
0xb0: {  	[dreg:$0x4] =	wrdreg $0x9  }
0xb1: {  	_ =	task.clear_ibuf [dreg:s7], $0x5FFFF;
	_ =	strace $0x90000046  }
0xb2: {  	s29 =	simm.s32 $0x9;
	_ =	strace $0x8000004F  }
0xb3: {  	_ =	swait.ge [sflag:s29], $0x1  }
0xb4: {  	[sflag:s29] =	ssyncadd.s32 $0xFFFFFFFF  }
0xb5: {  	_ =	strace $0x9000004F  }
0xb6: {  	_ =	sfence  }
0xb7: {  	s30 =	sld [smem:$0x0];
	_ =	sdelay $0x2  }
0xb8: {  	s31 =	sshll.u32 s1, $0xD;
	s1 =	sshrl.u32 s1, $0x2  }
0xb9: {  	s3 =	sand.u32 $0x4000, s31;
	s1 =	sadd.s32 s1, s30  }
0xba: {  	s0 =	sor.u32 s3, s0;
	s1 =	sshll.u32 s1, $0x11  }
0xbb: {  	s0 =	sor.u32 s1, s0  }
0xbc: {  	s0 =	sadd.s32 $0x8F2B, s0  }
0xbd: {  	[sflag:s0] =	ssyncadd.remote.s32 $0x1  }
0xbe: {  	_ =	sfence.sel $0xFFFF  }
0xbf: {  	[dreg:$0x0] =	wrdreg $0xFFFFFFFF;
	(pc) =	sbr.abs _section_cstart, $3  }
0xc0: {  	[dreg:$0x1] =	wrdreg $0xFFFFFFFF  }
0xc1: {  	_ =	task.clear_ibuf [dreg:s7], $0x2FFFF;
	_ =	strace $0x9FFFFFFF  }
0xc2: {  	(tm) =	ssettm $0x7FFFFFFF  }
0xc3: {  	_ =	shalt  }
tec
execute0_lowered:
.L_overlay_start_1:
0x0: {  	(tag) =	ssettag $0x1  }
0x1: {  	s1 =	rddreg [dreg:$0x0]  }
0x2: {  	s4 =	rddreg [dreg:$0x1];
	s2 =	srdreg.scid  }
0x3: {  	s0 =	rddreg [dreg:$0x2];
	s3 =	simm.s32 $0x0;
	s9 =	simm.s32 $0x0  }
0x4: {  	s5 =	sand.u32 $0x1, s2;
	[smem:$0x7FF] =	sst s3;
	s2 =	stileid.u32  }
0x5: {  	v0 =	vlaneseq.u32;
	s4 =	sadd.s32 $0xC00, s4;
	s6 =	sshll.u32 s5, $0x4;
	s5 =	ssub.s32 $0x2, s5  }
0x6: {  	v1 =	vmul.u32 $0xFFFFFFFF, v0;
	_ =	strace $0x80000047;
	s6 =	sor.u32 s2, s6;
	s7 =	sshrl.u32 s5, $0x1  }
0x7: {  	vm0 =	vmmov $0xff;
	s8 =	sshll.u32 s6, $0xC;
	s7 =	ssub.s32 s5, s7;
	s5 =	sshll.u32 s6, $0x3  }
0x8: {  	v2 =	vimm.s32 $0x0;
	v3 =	vimm.f32 $0.0e+00;
	v1 =	vadd.s32 $0xF, v1;
	s6 =	sadd.s32 s1, s8;
	s7 =	smax.u32 s7, $0x1;
	s8 =	simm.s32 $0x4  }
.LBB2_1:
0x9: {  	_ =	strace $0x80000048;
	s10 =	simm.s32 $0x0  }
0xa: {  	s11 =	simm.s32 $0x0;
	s12 =	simm.s32 $0x0;
	s13 =	simm.s32 $0x0  }
0xb: {  	[tilespmem:s3], [sflag:$0x1] =	stream.linear.gather [hbm4b:s6+s3], $0x1000, $0x200038;
	[tilespmem:$0x4000] =	vst v63  }
0xc: {  	s14 =	simm.s32 $0x1;
	s15 =	simm.s32 $0x0;
	_ =	strace $0x90000048  }
.LBB2_2:
0xd: {  	s18 =	smov.u32 s10;
	s10 =	sadd.s32 $0x1, s10  }
0xe: {  	p0 =	seq.s32 s10, $0x8  }
0xf: {  	s10 =	simm.s32 @p0 $0x0  }
0x10: {  	p6 =	sne.s32 s15, $0x7;
	p1 =	sne.s32 s18, s10  }
0x11: {  	p0 =	por !p6, !p1  }
0x12: {  	p0 =	por !p0, !p0  }
0x13: {  	s16 =	sadd.s32 @p0 s5, s10  }
0x14: {  	s25 =	sand.u32 $0x1, s13;
	_ =	strace @p0 $0x80000049;
	s16 =	sshll.u32 @p0 s16, $0x9  }
0x15: {  	s17 =	sand.u32 @p0 $0x1, s14;
	s20 =	simm.s32 @p0 $0x0;
	s16 =	sand.u32 @p0 $0x1FFFFE00, s16  }
0x16: {  	s19 =	sshll.u32 @p0 s17, $0xC;
	s17 =	sadd.s32 @p0 $0x1, s17;
	s16 =	sadd.s32 @p0 s1, s16  }
0x17: {  	[tilespmem:s19], [sflag:s17] =	stream.linear.gather @p0 [hbm4b:s16+s20], $0x1000, $0x200038;
	[tilespmem:$0x4000] =	vst v63  }
0x18: {  	s26 =	sshll.u32 s25, $0xC;
	_ =	strace @p0 $0x90000049  }
0x19: {  	s16 =	sadd.s32 $0x1, s25;
	s17 =	sor.u32 $0x20, s26;
	_ =	strace $0x8000004A  }
0x1a: {  	v4 =	vmov s17;
	_ =	swait.ge [sflag:s16], $0x1000  }
0x1b: {  	[sflag:s16] =	ssyncset.done $0x0  }
0x1c: {  	[sflag:s16] =	ssyncadd.s32 $0xFFFFF000  }
0x1d: {  	_ =	strace $0x9000004A  }
0x1e: {  	s16 =	simm.s32 $0x0;
	_ =	strace $0x8000004B  }
0x1f: {  	v6 =	vld.idx.msk [tilespmem:v4+s16+$0x10 ss:$0x1], $0xffff  }
0x20: {  	v7 =	vld.idx.msk [tilespmem:v4+s16+$0x0 ss:$0x1], $0xffff  }
0x21: {  	v8 =	vld.idx.msk [tilespmem:v4+s16+$0xFFFFFFF0 ss:$0x1], $0xffff;
	_ =	sdelay $0x1  }
0x22: {  	v9 =	vld.idx.msk [tilespmem:v4+s16+$0xFFFFFFE0 ss:$0x1], $0xffff  }
0x23: {  	(xrf1) =	vsort.dscd.msk.f32 $0xffff, v6, v0  }
0x24: {  	(xrf1) =	vsort.dscd.msk.f32 $0xffff, v7, v0  }
0x25: {  	(xrf1) =	vsort.dscd.msk.f32 $0xffff, v8, v0;
	_ =	sdelay $0x1  }
0x26: {  	(xrf1) =	vsort.dscd.msk.f32 $0xffff, v9, v0;
	_ =	sdelay $0x9  }
0x27: {  	v5, _, _ =	vpop (xrf1)  }
0x28: {  	v5 =	vperm.xlane v5, v1;
	v10, _, _ =	vpop (xrf1)  }
0x29: {  	v11, _, _ =	vpop (xrf1)  }
0x2a: {  	v11 =	vperm.xlane v11, v1;
	v5 =	vsel vm0, v10, v5  }
0x2b: {  	v58, _, _ =	vpop (xrf1);
	(xrf1) =	vsort.dscd.msk.f32 $0xffff, v5, v0  }
0x2c: {  	v5 =	vsel vm0, v58, v11  }
0x2d: {  	(xrf1) =	vsort.dscd.msk.f32 $0xffff, v5, v0;
	_ =	sdelay $0xb  }
0x2e: {  	v5, _, _ =	vpop (xrf1)  }
0x2f: {  	v5 =	vperm.xlane v5, v1  }
0x30: {  	v59, _, _ =	vpop (xrf1)  }
0x31: {  	v5 =	vsel vm0, v59, v5  }
0x32: {  	(xrf1) =	vsort.dscd.msk.f32 $0xffff, v5, v0;
	_ =	sdelay $0xd  }
0x33: {  	v5, _, _ =	vpop (xrf1)  }
0x34: {  	v60 =	vbroadcast v5, $0x7;
	_ =	sdelay $0x1  }
0x35: {  	vm1 =	vgt.f32 v5, v60  }
0x36: {  	vm7 =	veq.f32 v9, v60;
	v5 =	vsel vm1, $0x1, v2  }
0x37: {  	vm6 =	veq.f32 v8, v60;
	v61 =	vsel vm7, $0x1, v2;
	(xrf0) =	vadd.scan.msk.s32 $0xffff, v5  }
0x38: {  	vm5 =	veq.f32 v7, v60;
	v5 =	vsel vm6, $0x1, v2;
	(xrf0) =	vadd.scan.msk.s32 $0xffff, v61  }
0x39: {  	v62 =	vsel vm5, $0x1, v2;
	(xrf0) =	vadd.scan.msk.s32 $0xffff, v5  }
0x3a: {  	(xrf0) =	vadd.scan.msk.s32 $0xffff, v62;
	_ =	sdelay $0x2  }
0x3b: {  	v5, _, _ =	vpop (xrf0)  }
0x3c: {  	(v2sf) =	vpush v5, $0xF;
	v63, _, _ =	vpop (xrf0)  }
0x3d: {  	(v2sf) =	vpush v63, $0xF;
	v12, _, _ =	vpop (xrf0)  }
0x3e: {  	(v2sf) =	vpush v12, $0xF;
	v13, _, _ =	vpop (xrf0)  }
0x3f: {  	(v2sf) =	vpush v13, $0xF;
	_ =	sdelay $0x7  }
0x40: {  	vm1 =	veq.f32 v6, v60  }
0x41: {  	v5 =	vsel vm1, $0x1, v2  }
0x42: {  	(xrf0) =	vadd.scan.msk.s32 $0xffff, v5  }
0x43: {  	s17 =	sand.u32 $0x1, s12;
	v14 =	vbroadcast v63, $0xF  }
0x44: {  	s28 =	sshll.u32 s17, $0xC;
	s21 =	spop (v2sf)  }
0x45: {  	s29 =	sor.u32 $0x2030, s28;
	vm4 =	vgt.f32 v7, v60;
	v7 =	vadd.s32 v12, v14;
	s30 =	spop (v2sf)  }
0x46: {  	vm8 =	vgt.f32 v9, v60;
	vm3 =	vgt.f32 v8, v60;
	v5 =	vmov s29;
	s21 =	ssub.s32 $0x8, s21;
	s22 =	spop (v2sf)  }
0x47: {  	vm2 =	vgt.f32 v6, v60;
	vm9 =	vle.s32 v63, s21;
	vm10 =	vle.s32 v7, s21;
	s19 =	sadd.s32 s22, s30;
	s31 =	spop (v2sf)  }
0x48: {  	v7, _, _ =	vpop (xrf0);
	vm7 =	vmand vm7, vm9;
	vm6 =	vmand vm6, vm10;
	v6 =	vadd.s32 s19, v13;
	s19 =	sadd.s32 s31, s19  }
0x49: {  	vm7 =	vmor vm8, vm7;
	vm8 =	vle.s32 v6, s21;
	v7 =	vadd.s32 s19, v7  }
0x4a: {  	s20 =	simm.s32 $0x200;
	s19 =	sadd.s32 s5, s18;
	s18 =	sor.u32 $0x2000, s28;
	v6 =	vsel vm7, $0x3F800000, v3;
	vm5 =	vmand vm5, vm8;
	vm7 =	vle.s32 v7, s21  }
.LBB2_3:
0x4b: {  	p2 =	sne.s32 s20, $0x3E00;
	[tilespmem:v5+s16+$0xFFFFFFD0 ss:$0x1] =	vst.idx.msk $0xffff, v6;
	vm3 =	vmor vm3, vm6;
	vm4 =	vmor vm4, vm5;
	vm1 =	vmand vm1, vm7;
	s21 =	smov.u32 s20;
	s20 =	sadd.s32 $0x200, s20  }
0x4c: {  	v6 =	vsel vm3, $0x3F800000, v3;
	v7 =	vsel vm4, $0x3F800000, v3;
	vm1 =	vmor vm2, vm1  }
0x4d: {  	s21 =	sshra.s32 s21, $0x2;
	[tilespmem:v5+s16+$0xFFFFFFE0 ss:$0x1] =	vst.idx.msk $0xffff, v6;
	v6 =	vsel vm1, $0x3F800000, v3  }
0x4e: {  	[tilespmem:v5+s16+$0xFFFFFFF0 ss:$0x1] =	vst.idx.msk $0xffff, v7  }
0x4f: {  	[tilespmem:v5+s16+$0x0 ss:$0x1] =	vst.idx.msk $0xffff, v6;
	s16 =	smov.u32 s21  }
0x50: {  	v6 =	vld.idx.msk [tilespmem:v4+s16+$0x10 ss:$0x1], $0xffff  }
0x51: {  	v7 =	vld.idx.msk [tilespmem:v4+s16+$0x0 ss:$0x1], $0xffff  }
0x52: {  	v8 =	vld.idx.msk [tilespmem:v4+s16+$0xFFFFFFF0 ss:$0x1], $0xffff;
	_ =	sdelay $0x1  }
0x53: {  	v9 =	vld.idx.msk [tilespmem:v4+s16+$0xFFFFFFE0 ss:$0x1], $0xffff;
	_ =	sdelay $0x1  }
0x54: {  	(xrf1) =	vsort.dscd.msk.f32 $0xffff, v6, v0  }
0x55: {  	(xrf1) =	vsort.dscd.msk.f32 $0xffff, v7, v0  }
0x56: {  	(xrf1) =	vsort.dscd.msk.f32 $0xffff, v8, v0;
	_ =	sdelay $0x1  }
0x57: {  	(xrf1) =	vsort.dscd.msk.f32 $0xffff, v9, v0;
	_ =	sdelay $0x9  }
0x58: {  	v10, _, _ =	vpop (xrf1)  }
0x59: {  	v10 =	vperm.xlane v10, v1;
	v11, _, _ =	vpop (xrf1)  }
0x5a: {  	v12, _, _ =	vpop (xrf1)  }
0x5b: {  	v12 =	vperm.xlane v12, v1;
	v10 =	vsel vm0, v11, v10  }
0x5c: {  	v11, _, _ =	vpop (xrf1);
	(xrf1) =	vsort.dscd.msk.f32 $0xffff, v10, v0  }
0x5d: {  	v10 =	vsel vm0, v11, v12  }
0x5e: {  	(xrf1) =	vsort.dscd.msk.f32 $0xffff, v10, v0;
	_ =	sdelay $0xb  }
0x5f: {  	v10, _, _ =	vpop (xrf1)  }
0x60: {  	v10 =	vperm.xlane v10, v1  }
0x61: {  	v11, _, _ =	vpop (xrf1)  }
0x62: {  	v10 =	vsel vm0, v11, v10  }
0x63: {  	(xrf1) =	vsort.dscd.msk.f32 $0xffff, v10, v0;
	_ =	sdelay $0xd  }
0x64: {  	v10, _, _ =	vpop (xrf1)  }
0x65: {  	v11 =	vbroadcast v10, $0x7;
	_ =	sdelay $0x1  }
0x66: {  	vm1 =	vgt.f32 v10, v11;
	vm6 =	veq.f32 v8, v11;
	vm5 =	veq.f32 v7, v11  }
0x67: {  	vm7 =	veq.f32 v9, v11;
	v10 =	vsel vm1, $0x1, v2;
	v12 =	vsel vm6, $0x1, v2  }
0x68: {  	v13 =	vsel vm7, $0x1, v2;
	v14 =	vsel vm5, $0x1, v2;
	vm1 =	veq.f32 v6, v11;
	(xrf0) =	vadd.scan.msk.s32 $0xffff, v10  }
0x69: {  	vm8 =	vgt.f32 v9, v11;
	vm3 =	vgt.f32 v8, v11;
	v8 =	vsel vm1, $0x1, v2;
	(xrf0) =	vadd.scan.msk.s32 $0xffff, v13  }
0x6a: {  	vm4 =	vgt.f32 v7, v11;
	vm2 =	vgt.f32 v6, v11;
	(xrf0) =	vadd.scan.msk.s32 $0xffff, v12  }
0x6b: {  	(xrf0) =	vadd.scan.msk.s32 $0xffff, v14;
	_ =	sdelay $0x2  }
0x6c: {  	v6, _, _ =	vpop (xrf0)  }
0x6d: {  	(v2sf) =	vpush v6, $0xF;
	v6, _, _ =	vpop (xrf0)  }
0x6e: {  	v7 =	vbroadcast v6, $0xF;
	(v2sf) =	vpush v6, $0xF;
	v9, _, _ =	vpop (xrf0)  }
0x6f: {  	(v2sf) =	vpush v9, $0xF;
	v10, _, _ =	vpop (xrf0)  }
0x70: {  	v7 =	vadd.s32 v9, v7;
	(v2sf) =	vpush v10, $0xF;
	_ =	sdelay $0x9  }
0x71: {  	(xrf0) =	vadd.scan.msk.s32 $0xffff, v8;
	_ =	sdelay $0x1  }
0x72: {  	s21 =	spop (v2sf)  }
0x73: {  	s22 =	spop (v2sf)  }
.Ltmp0:
0x74: {  	s21 =	ssub.s32 $0x8, s21;
	s23 =	spop (v2sf);
	(pc) =	sbr.rel @p2 .LBB2_3-.Ltmp0, $4  }
0x75: {  	vm9 =	vle.s32 v6, s21;
	vm10 =	vle.s32 v7, s21;
	s22 =	sadd.s32 s23, s22;
	s23 =	spop (v2sf)  }
0x76: {  	vm7 =	vmand vm7, vm9;
	vm6 =	vmand vm6, vm10;
	v6 =	vadd.s32 s22, v10;
	s22 =	sadd.s32 s23, s22;
	v7, _, _ =	vpop (xrf0)  }
0x77: {  	vm7 =	vmor vm8, vm7;
	vm8 =	vle.s32 v6, s21;
	v7 =	vadd.s32 s22, v7  }
0x78: {  	v6 =	vsel vm7, $0x3F800000, v3;
	vm5 =	vmand vm5, vm8;
	vm7 =	vle.s32 v7, s21  }
0x79: {  	_ =	sdelay $0x2  }
0x7a: {  	vm3 =	vmor vm3, vm6  }
0x7b: {  	[tilespmem:v5+s16+$0xFFFFFFD0 ss:$0x1] =	vst.idx.msk $0xffff, v6;
	vm4 =	vmor vm4, vm5;
	vm1 =	vmand vm1, vm7;
	v4 =	vsel vm3, $0x3F800000, v3  }
0x7c: {  	p2 =	seq.s32 s15, $0x7;
	v63 =	vsel vm4, $0x3F800000, v3;
	vm1 =	vmor vm2, vm1;
	[tilespmem:v5+s16+$0xFFFFFFE0 ss:$0x1] =	vst.idx.msk $0xffff, v4  }
0x7d: {  	p1 =	por p2, p1;
	v4 =	vsel vm1, $0x3F800000, v3;
	[tilespmem:v5+s16+$0xFFFFFFF0 ss:$0x1] =	vst.idx.msk $0xffff, v63  }
0x7e: {  	[tilespmem:v5+s16+$0x0 ss:$0x1] =	vst.idx.msk $0xffff, v4;
	s16 =	sshll.u32 @p1 s19, $0x9  }
0x7f: {  	s17 =	sadd.s32 @p1 $0x3, s17;
	_ =	strace $0x9000004B;
	s16 =	sand.u32 @p1 $0x1FFFFE00, s16  }
0x80: {  	s19 =	simm.s32 @p1 $0x0;
	_ =	strace @p1 $0x8000004C;
	s16 =	sadd.s32 @p1 s4, s16  }
0x81: {  	[hbm4b:s16+s19] =	stream.linear.scatter @p1 [tilespmem:s18], [sflag:s17], $0x1000, $0x200038;
	[tilespmem:$0x4000] =	vst v63  }
0x82: {  	s16 =	simm.s32 $0x1  }
0x83: {  	s18 =	simm.s32 $0x1;
	s16 =	simm.s32 @!p0 $0x0;
	p0 =	seq.s32 s15, $0x0  }
0x84: {  	_ =	strace @p1 $0x9000004C;
	s14 =	sadd.s32 s16, s14;
	s16 =	simm.s32 $0x1  }
0x85: {  	s16 =	simm.s32 @!p1 $0x0;
	p1 =	sne.s32 s15, $0x0;
	s15 =	sadd.s32 $0x1, s15  }
0x86: {  	s17 =	sand.u32 @!p0 $0x1, s11;
	s18 =	simm.s32 @!p1 $0x0;
	p1 =	sne.s32 s15, $0x8  }
.Ltmp1:
0x87: {  	_ =	strace @!p0 $0x8000004D;
	s17 =	sadd.s32 @!p0 $0x3, s17;
	(pc) =	sbr.rel @p1 .LBB2_2-.Ltmp1, $4  }
0x88: {  	_ =	swait.ge @!p0 [sflag:s17], $0x1000  }
0x89: {  	[sflag:s17] =	ssyncset.done @!p0 $0x0  }
0x8a: {  	s12 =	sadd.s32 s16, s12;
	[sflag:s17] =	ssyncadd.s32 @!p0 $0xFFFFF000  }
0x8b: {  	s13 =	sadd.s32 s16, s13;
	s11 =	sadd.s32 s18, s11;
	_ =	strace @!p0 $0x9000004D  }
0x8c: {  	s9 =	sadd.s32 $0x1, s9  }
0x8d: {  	p0 =	sne.s32 s9, s7  }
.Ltmp2:
0x8e: {  	_ =	strace $0x8000004E;
	(pc) =	sbr.rel @p0 .LBB2_1-.Ltmp2, $4  }
0x8f: {  	_ =	swait.ge [sflag:s8], $0x1000  }
0x90: {  	[sflag:s8] =	ssyncset.done $0x0  }
0x91: {  	[sflag:s8] =	ssyncadd.s32 $0xFFFFF000  }
0x92: {  	_ =	strace $0x9000004E  }
0x93: {  	_ =	sfence.sel $0x180000  }
0x94: {  	[bflag:$0x0] =	sbarrier.arrive $0xFFFF  }
0x95: {  	p0 =	sne.s32 s2, $0x0;
	_ =	strace $0x90000047  }
0x96: {  	s0 =	sadd.s32 @!p0 $0x100000, s0;
	[bflag:$0x2] =	sbarrier.arrive $0xFFFF  }
0x97: {  	[sflag:s0] =	ssyncadd.tile.s32 @!p0 $0x1;
	_ =	shalt  }
.Lfunc_end2:
_tile_overlayer_lowered:
.L_overlay_start_2:
0x98: {  	(tag) =	ssettag $0x2  }
0x99: {  	s0 =	rddreg [dreg:$0x0];
	s2 =	stileid.u32  }
0x9a: {  	s1 =	rddreg [dreg:$0x1];
	p0 =	sne.s32 s2, $0x0  }
0x9b: {  	s3 =	rddreg [dreg:$0x2];
	[bflag:$0x3] =	sbarrier.arrive $0xFFFF;
	s2 =	simm.s32 @!p0 $0x1C01  }
0x9c: {  	[timem:s3], [sflag:s2] =	dma.local @!p0 [hbm:s0], s1  }
0x9d: {  	s0 =	simm.s32 @!p0 $0x1  }
0x9e: {  	_ =	swait.ge @!p0 [sflag:s0], s1  }
0x9f: {  	s1 =	ssub.s32 @!p0 $0x0, s1;
	[sflag:s0] =	ssyncset.done @!p0 $0x0  }
0xa0: {  	[sflag:s0] =	ssyncadd.s32 @!p0 s1  }
0xa1: {  	[bflag:$0x3] =	sbarrier.arrive $0xFFFF  }
0xa2: {  	_ =	shalt  }

</sc_bundles>
